<compile_context>
chip_gen: v7x
topology: tpu7x:2x2x1
jax: 0.10.2.dev20260603
libtpu: 0.0.44.dev20260713+nightly
codegen_flags: <defaults>
</compile_context>

<pallas_src>
import functools

import jax
import jax.numpy as jnp
from jax import lax
from jax.experimental import pallas as pl
from jax.experimental.pallas import tpu as pltpu
from jax.experimental.pallas import tpu_sc as plsc

B = 16384
NUM_CARDS = 52
EMB = 16
NOUT = 12
SLOT_STRIDE = 56
NSLOTS = 7
TBL = SLOT_STRIDE * 8
NW = 32
BPW = B // NW


def _fold_body(emb_ref, wht1_ref, wht2_ref, wwr1_ref, wwr2_ref,
               wph1_ref, wph2_ref, bht1_ref, bwr1_ref, bph1_ref, b2_ref,
               table_ref):
    f32 = jnp.float32
    i32 = jnp.int32

    r16_10 = lax.broadcasted_iota(i32, (16, 10), 0)
    c16_10 = lax.broadcasted_iota(i32, (16, 10), 1)
    s_ht = (r16_10 == c16_10).astype(f32)
    riota = lax.broadcasted_iota(i32, (16, 1024), 0)

    def matmul(a, b):
        return lax.dot_general(a, b, (((1,), (0,)), ((), ())),
                               precision=lax.Precision.HIGHEST,
                               preferred_element_type=f32)

    def matmul_t(a, b):
        return lax.dot_general(a, b, (((1,), (1,)), ((), ())),
                               precision=lax.Precision.HIGHEST,
                               preferred_element_type=f32)

    w2p_ht = matmul(s_ht, wht2_ref[...])
    w2p_wr = jnp.where(riota == 10,
                       jnp.broadcast_to(wwr2_ref[...], (16, 1024)), 0.0)
    w2p_ph = jnp.where(riota == 11,
                       jnp.broadcast_to(wph2_ref[...], (16, 1024)), 0.0)

    w_all = (matmul(w2p_ht, wht1_ref[...])
             + matmul(w2p_wr, wwr1_ref[...])
             + matmul(w2p_ph, wph1_ref[...]))

    b_all = (b2_ref[...]
             + matmul_t(w2p_ht, bht1_ref[...])
             + matmul_t(w2p_wr, bwr1_ref[...])
             + matmul_t(w2p_ph, bph1_ref[...]))

    emb = emb_ref[...]
    for j in range(NSLOTS):
        t_j = matmul_t(w_all[:, EMB * j:EMB * (j + 1)], emb)
        if j == 0:
            t_j = t_j + b_all
        table_ref[:, pl.ds(SLOT_STRIDE * j, NUM_CARDS)] = t_j


def _sc_body(table_hbm, hand_hbm, pub_hbm,
             hand_out, win_out, pot_out,
             table_v, hidx_v, pidx_v, hand_v, win_v, pot_v, sem):
    wid = lax.axis_index("s") * 2 + lax.axis_index("c")
    row0 = wid * BPW

    c1 = pltpu.async_copy(table_hbm.at[pl.ds(0, NOUT * TBL)], table_v, sem)
    c2 = pltpu.async_copy(hand_hbm.at[pl.ds(row0, BPW), :], hidx_v, sem)
    c3 = pltpu.async_copy(pub_hbm.at[pl.ds(row0, BPW), :], pidx_v, sem)
    c1.wait()
    c2.wait()
    c3.wait()

    iota16 = lax.iota(jnp.int32, 16)
    ccs = [jnp.full((16,), c, jnp.int32) for c in range(NOUT)]
    zero16 = jnp.zeros((16,), jnp.int32)

    @plsc.parallel_loop(0, BPW // 16, 1, unroll=4)
    def group(g):
        rows16 = iota16 + g * 16
        slots = [plsc.load_gather(hidx_v, [rows16, zero16]),
                 plsc.load_gather(hidx_v, [rows16, ccs[1]]) + SLOT_STRIDE]
        for k in range(5):
            slots.append(plsc.load_gather(pidx_v, [rows16, ccs[k]])
                         + SLOT_STRIDE * (2 + k))
        for c in range(NOUT):
            acc = plsc.load_gather(table_v, [slots[0] + TBL * c])
            for s in slots[1:]:
                acc = acc + plsc.load_gather(table_v, [s + TBL * c])
            if c < 10:
                plsc.store_scatter(hand_v, [rows16, ccs[c]], acc)
            elif c == 10:
                plsc.store_scatter(win_v, [rows16, zero16], acc)
            else:
                plsc.store_scatter(pot_v, [rows16, zero16], acc)

    c4 = pltpu.async_copy(hand_v, hand_out.at[pl.ds(row0, BPW), :], sem)
    c5 = pltpu.async_copy(win_v, win_out.at[pl.ds(row0, BPW), :], sem)
    c6 = pltpu.async_copy(pot_v, pot_out.at[pl.ds(row0, BPW), :], sem)
    c4.wait()
    c5.wait()
    c6.wait()


@functools.cache
def _sc_gather_sum():
    return pl.kernel(
        _sc_body,
        out_type=[jax.ShapeDtypeStruct((B, 10), jnp.float32),
                  jax.ShapeDtypeStruct((B, 1), jnp.float32),
                  jax.ShapeDtypeStruct((B, 1), jnp.float32)],
        mesh=plsc.VectorSubcoreMesh(core_axis_name="c", subcore_axis_name="s"),
        scratch_types=[
            pltpu.VMEM((NOUT * TBL,), jnp.float32),
            pltpu.VMEM((BPW, 2), jnp.int32),
            pltpu.VMEM((BPW, 5), jnp.int32),
            pltpu.VMEM((BPW, 10), jnp.float32),
            pltpu.VMEM((BPW, 1), jnp.float32),
            pltpu.VMEM((BPW, 1), jnp.float32),
            pltpu.SemaphoreType.DMA,
        ],
        compiler_params=pltpu.CompilerParams(use_tc_tiling_on_sc=False,
                                             needs_layout_passes=False,
                                             skip_device_barrier=True,
                                             disable_bounds_checks=True,
                                             disable_semaphore_checks=True),
    )


def kernel(hand_indices, public_indices, embedding,
           W_ht1, b_ht1, W_ht2, b_ht2,
           W_wr1, b_wr1, W_wr2, b_wr2,
           W_ph1, b_ph1, W_ph2, b_ph2):
    i32 = jnp.int32

    table = pl.pallas_call(
        _fold_body,
        out_shape=jax.ShapeDtypeStruct((16, TBL), jnp.float32),
    )(embedding, W_ht1, W_ht2, W_wr1, W_wr2, W_ph1, W_ph2,
      b_ht1.reshape(1, -1), b_wr1.reshape(1, -1), b_ph1.reshape(1, -1),
      jnp.concatenate([b_ht2, b_wr2, b_ph2,
                       jnp.zeros((4,), jnp.float32)]).reshape(16, 1))

    return tuple(_sc_gather_sum()(table.reshape(-1),
                                  hand_indices.astype(i32),
                                  public_indices.astype(i32)))

# --- scband reference (transcript-rebuilt; emitter-appended) ---
"""Pipeline reference for scband-card-embedding-model-88510686036874 (READ-ONLY COPY).

The authoritative reference and input builder live on the scoring server;
editing this copy changes nothing except your own understanding.
"""

import jax, jax.numpy as jnp
import numpy as np

B = 16384
NUM_CARDS = 52
EMB = 16
NUM_HAND_TYPES = 10
HID = 1024
COMB = EMB * 7


def _linear_params(key, fan_in, fan_out):
    k1, k2 = jax.random.split(key)
    bound = 1.0 / np.sqrt(fan_in)
    W = jax.random.uniform(k1, (fan_out, fan_in), jnp.float32, -bound, bound)
    b = jax.random.uniform(k2, (fan_out,), jnp.float32, -bound, bound)
    return W, b


def setup_inputs(seed: int = 0) -> dict:
    key = jax.random.key(seed)
    ks = jax.random.split(key, 9)
    hand_indices = jax.random.randint(ks[0], (B, 2), 0, NUM_CARDS, dtype=jnp.int64 if jax.config.jax_enable_x64 else jnp.int32)
    public_indices = jax.random.randint(ks[1], (B, 5), 0, NUM_CARDS, dtype=jnp.int64 if jax.config.jax_enable_x64 else jnp.int32)
    embedding = jax.random.normal(ks[2], (NUM_CARDS, EMB), jnp.float32)
    W_ht1, b_ht1 = _linear_params(ks[3], COMB, HID)
    W_ht2, b_ht2 = _linear_params(ks[4], HID, NUM_HAND_TYPES)
    W_wr1, b_wr1 = _linear_params(ks[5], COMB, HID)
    W_wr2, b_wr2 = _linear_params(ks[6], HID, 1)
    W_ph1, b_ph1 = _linear_params(ks[7], COMB, HID)
    W_ph2, b_ph2 = _linear_params(ks[8], HID, 1)
    return {
        'hand_indices': hand_indices,
        'public_indices': public_indices,
        'embedding': embedding,
        'W_ht1': W_ht1, 'b_ht1': b_ht1, 'W_ht2': W_ht2, 'b_ht2': b_ht2,
        'W_wr1': W_wr1, 'b_wr1': b_wr1, 'W_wr2': W_wr2, 'b_wr2': b_wr2,
        'W_ph1': W_ph1, 'b_ph1': b_ph1, 'W_ph2': W_ph2, 'b_ph2': b_ph2,
    }


def reference(hand_indices, public_indices, embedding,
              W_ht1, b_ht1, W_ht2, b_ht2,
              W_wr1, b_wr1, W_wr2, b_wr2,
              W_ph1, b_ph1, W_ph2, b_ph2):
    hand_embeddings = jnp.take(embedding, hand_indices, axis=0)      # [B, 2, EMB]
    public_embeddings = jnp.take(embedding, public_indices, axis=0)  # [B, 5, EMB]
    combined = jnp.concatenate([
        hand_embeddings.reshape(hand_embeddings.shape[0], -1),
        public_embeddings.reshape(public_embeddings.shape[0], -1),
    ], axis=1)  # [B, 112]
    hand_type_logits = (combined @ W_ht1.T + b_ht1) @ W_ht2.T + b_ht2
    win_rate = (combined @ W_wr1.T + b_wr1) @ W_wr2.T + b_wr2
    potential_prob = (combined @ W_ph1.T + b_ph1) @ W_ph2.T + b_ph2
    return (hand_type_logits, win_rate, potential_prob)

if __name__ == "__main__":
    import jax
    _d = setup_inputs()
    print(jax.jit(kernel)(*tuple(_d.values())))

</pallas_src>

<mosaic_0001>
#map = affine_map<(d0, d1) -> (0)>
#map1 = affine_map<(d0, d1) -> (0, 0)>
module attributes {stable_mosaic.version = 14 : i64} {
  func.func @_sc_body(%arg0: i32, %arg1: i32, %arg2: memref<7168xf32, #tpu.memory_space<hbm>>, %arg3: memref<16384x2xi32, #tpu.memory_space<hbm>>, %arg4: memref<16384x5xi32, #tpu.memory_space<hbm>>, %arg5: memref<16384x10xf32, #tpu.memory_space<hbm>>, %arg6: memref<16384x1xf32, #tpu.memory_space<hbm>>, %arg7: memref<16384x1xf32, #tpu.memory_space<hbm>>, %arg8: memref<5376xf32, #tpu.memory_space<vmem>>, %arg9: memref<512x2xi32, #tpu.memory_space<vmem>>, %arg10: memref<512x5xi32, #tpu.memory_space<vmem>>, %arg11: memref<512x10xf32, #tpu.memory_space<vmem>>, %arg12: memref<512x1xf32, #tpu.memory_space<vmem>>, %arg13: memref<512x1xf32, #tpu.memory_space<vmem>>, %arg14: memref<!tpu.dma_semaphore, #tpu.memory_space<semaphore_mem>>) attributes {dimension_semantics = [#tpu.dimension_semantics<core_parallel>, #tpu.dimension_semantics<subcore_parallel>], iteration_bounds = array<i64: 2, 16>, scalar_prefetch = 0 : i64, scratch_operands = 7 : i64, tpu.core_type = #tpu.core_type<sc_vector_subcore>, window_params = [{transform_indices = #map}, {transform_indices = #map1}, {transform_indices = #map1}, {transform_indices = #map1}, {transform_indices = #map1}, {transform_indices = #map1}]} {
    %mul3A = arith.constant 2 : i32
    %mul3A_0 = arith.muli %arg1, %mul3A : i32
    %add3A = arith.addi %mul3A_0, %arg0 : i32
    %mul3A_1 = arith.constant 512 : i32
    %mul3A_2 = arith.muli %add3A, %mul3A_1 : i32
    %dma_start3A = arith.constant 0 : i32
    %dma_start3A_3 = tpu.memref_slice %arg2[%dma_start3A] : memref<7168xf32, #tpu.memory_space<hbm>> -> memref<5376xf32, #tpu.memory_space<hbm>>
    %dma_start3A_4 = arith.constant 0 : i32
    %dma_start3A_5 = tpu.memref_slice %arg2[%dma_start3A_4] : memref<7168xf32, #tpu.memory_space<hbm>> -> memref<5376xf32, #tpu.memory_space<hbm>>
    tpu.enqueue_dma source(%dma_start3A_5 : memref<5376xf32, #tpu.memory_space<hbm>>) target(%arg8 : memref<5376xf32, #tpu.memory_space<vmem>>) target_semaphore(%arg14 : memref<!tpu.dma_semaphore, #tpu.memory_space<semaphore_mem>>)
    %dma_start3A_6 = arith.constant 0 : i32
    %dma_start3A_7 = tpu.memref_slice %arg3[%mul3A_2, %dma_start3A_6] : memref<16384x2xi32, #tpu.memory_space<hbm>> -> memref<512x2xi32, #tpu.memory_space<hbm>>
    %dma_start3A_8 = arith.constant 0 : i32
    %dma_start3A_9 = tpu.memref_slice %arg3[%mul3A_2, %dma_start3A_8] : memref<16384x2xi32, #tpu.memory_space<hbm>> -> memref<512x2xi32, #tpu.memory_space<hbm>>
    tpu.enqueue_dma source(%dma_start3A_9 : memref<512x2xi32, #tpu.memory_space<hbm>>) target(%arg9 : memref<512x2xi32, #tpu.memory_space<vmem>>) target_semaphore(%arg14 : memref<!tpu.dma_semaphore, #tpu.memory_space<semaphore_mem>>)
    %dma_start3A_10 = arith.constant 0 : i32
    %dma_start3A_11 = tpu.memref_slice %arg4[%mul3A_2, %dma_start3A_10] : memref<16384x5xi32, #tpu.memory_space<hbm>> -> memref<512x5xi32, #tpu.memory_space<hbm>>
    %dma_start3A_12 = arith.constant 0 : i32
    %dma_start3A_13 = tpu.memref_slice %arg4[%mul3A_2, %dma_start3A_12] : memref<16384x5xi32, #tpu.memory_space<hbm>> -> memref<512x5xi32, #tpu.memory_space<hbm>>
    tpu.enqueue_dma source(%dma_start3A_13 : memref<512x5xi32, #tpu.memory_space<hbm>>) target(%arg10 : memref<512x5xi32, #tpu.memory_space<vmem>>) target_semaphore(%arg14 : memref<!tpu.dma_semaphore, #tpu.memory_space<semaphore_mem>>)
    %dma_wait3A = arith.constant 0 : i32
    %dma_wait3A_14 = tpu.memref_slice %arg2[%dma_wait3A] : memref<7168xf32, #tpu.memory_space<hbm>> -> memref<5376xf32, #tpu.memory_space<hbm>>
    %dma_wait3A_15 = arith.constant 0 : i32
    %dma_wait3A_16 = tpu.memref_slice %arg2[%dma_wait3A_15] : memref<7168xf32, #tpu.memory_space<hbm>> -> memref<5376xf32, #tpu.memory_space<hbm>>
    tpu.wait_dma2 semaphore(%arg14 : memref<!tpu.dma_semaphore, #tpu.memory_space<semaphore_mem>>) src(%dma_wait3A_16 : memref<5376xf32, #tpu.memory_space<hbm>>) dst(%arg8 : memref<5376xf32, #tpu.memory_space<vmem>>)
    %dma_wait3A_17 = arith.constant 0 : i32
    %dma_wait3A_18 = tpu.memref_slice %arg3[%mul3A_2, %dma_wait3A_17] : memref<16384x2xi32, #tpu.memory_space<hbm>> -> memref<512x2xi32, #tpu.memory_space<hbm>>
    %dma_wait3A_19 = arith.constant 0 : i32
    %dma_wait3A_20 = tpu.memref_slice %arg3[%mul3A_2, %dma_wait3A_19] : memref<16384x2xi32, #tpu.memory_space<hbm>> -> memref<512x2xi32, #tpu.memory_space<hbm>>
    tpu.wait_dma2 semaphore(%arg14 : memref<!tpu.dma_semaphore, #tpu.memory_space<semaphore_mem>>) src(%dma_wait3A_20 : memref<512x2xi32, #tpu.memory_space<hbm>>) dst(%arg9 : memref<512x2xi32, #tpu.memory_space<vmem>>)
    %dma_wait3A_21 = arith.constant 0 : i32
    %dma_wait3A_22 = tpu.memref_slice %arg4[%mul3A_2, %dma_wait3A_21] : memref<16384x5xi32, #tpu.memory_space<hbm>> -> memref<512x5xi32, #tpu.memory_space<hbm>>
    %dma_wait3A_23 = arith.constant 0 : i32
    %dma_wait3A_24 = tpu.memref_slice %arg4[%mul3A_2, %dma_wait3A_23] : memref<16384x5xi32, #tpu.memory_space<hbm>> -> memref<512x5xi32, #tpu.memory_space<hbm>>
    tpu.wait_dma2 semaphore(%arg14 : memref<!tpu.dma_semaphore, #tpu.memory_space<semaphore_mem>>) src(%dma_wait3A_24 : memref<512x5xi32, #tpu.memory_space<hbm>>) dst(%arg10 : memref<512x5xi32, #tpu.memory_space<vmem>>)
    %iota3A = tpu.iota {dimensions = array<i32: 0>} : vector<16xi32>
    %broadcast_in_dim3A = arith.constant 0 : i32
    %broadcast_in_dim3A_25 = vector.broadcast %broadcast_in_dim3A : i32 to vector<16xi32>
    %broadcast_in_dim3A_26 = arith.constant 1 : i32
    %broadcast_in_dim3A_27 = vector.broadcast %broadcast_in_dim3A_26 : i32 to vector<16xi32>
    %broadcast_in_dim3A_28 = arith.constant 2 : i32
    %broadcast_in_dim3A_29 = vector.broadcast %broadcast_in_dim3A_28 : i32 to vector<16xi32>
    %broadcast_in_dim3A_30 = arith.constant 3 : i32
    %broadcast_in_dim3A_31 = vector.broadcast %broadcast_in_dim3A_30 : i32 to vector<16xi32>
    %broadcast_in_dim3A_32 = arith.constant 4 : i32
    %broadcast_in_dim3A_33 = vector.broadcast %broadcast_in_dim3A_32 : i32 to vector<16xi32>
    %broadcast_in_dim3A_34 = arith.constant 5 : i32
    %broadcast_in_dim3A_35 = vector.broadcast %broadcast_in_dim3A_34 : i32 to vector<16xi32>
    %broadcast_in_dim3A_36 = arith.constant 6 : i32
    %broadcast_in_dim3A_37 = vector.broadcast %broadcast_in_dim3A_36 : i32 to vector<16xi32>
    %broadcast_in_dim3A_38 = arith.constant 7 : i32
    %broadcast_in_dim3A_39 = vector.broadcast %broadcast_in_dim3A_38 : i32 to vector<16xi32>
    %broadcast_in_dim3A_40 = arith.constant 8 : i32
    %broadcast_in_dim3A_41 = vector.broadcast %broadcast_in_dim3A_40 : i32 to vector<16xi32>
    %broadcast_in_dim3A_42 = arith.constant 9 : i32
    %broadcast_in_dim3A_43 = vector.broadcast %broadcast_in_dim3A_42 : i32 to vector<16xi32>
    %broadcast_in_dim3A_44 = arith.constant 10 : i32
    %broadcast_in_dim3A_45 = vector.broadcast %broadcast_in_dim3A_44 : i32 to vector<16xi32>
    %broadcast_in_dim3A_46 = arith.constant 11 : i32
    %broadcast_in_dim3A_47 = vector.broadcast %broadcast_in_dim3A_46 : i32 to vector<16xi32>
    %broadcast_in_dim3A_48 = arith.constant 0 : i32
    %broadcast_in_dim3A_49 = vector.broadcast %broadcast_in_dim3A_48 : i32 to vector<16xi32>
    %parallel_loop3A = arith.constant 0 : i32
    %parallel_loop3A_50 = arith.constant 32 : i32
    %parallel_loop3A_51 = arith.constant 1 : i32
    scf.for %parallel_loop3A_76 = %parallel_loop3A to %parallel_loop3A_50 step %parallel_loop3A_51  : i32 {
      %parallel_loop3A_77 = arith.constant 16 : i32
      %parallel_loop3A_78 = arith.muli %parallel_loop3A_76, %parallel_loop3A_77 : i32
      %parallel_loop3A_79 = vector.broadcast %parallel_loop3A_78 : i32 to vector<16xi32>
      %parallel_loop3A_80 = arith.addi %iota3A, %parallel_loop3A_79 : vector<16xi32>
      %parallel_loop3A_81 = tpu.vector_load_idx %arg9[%parallel_loop3A_80, %broadcast_in_dim3A_49] : memref<512x2xi32, #tpu.memory_space<vmem>>[vector<16xi32>, vector<16xi32>], vector<16xi32>,
      %parallel_loop3A_82 = tpu.vector_load_idx %arg9[%parallel_loop3A_80, %broadcast_in_dim3A_27] : memref<512x2xi32, #tpu.memory_space<vmem>>[vector<16xi32>, vector<16xi32>], vector<16xi32>,
      %parallel_loop3A_83 = arith.constant 56 : i32
      %parallel_loop3A_84 = vector.broadcast %parallel_loop3A_83 : i32 to vector<16xi32>
      %parallel_loop3A_85 = arith.addi %parallel_loop3A_82, %parallel_loop3A_84 : vector<16xi32>
      %parallel_loop3A_86 = tpu.vector_load_idx %arg10[%parallel_loop3A_80, %broadcast_in_dim3A_25] : memref<512x5xi32, #tpu.memory_space<vmem>>[vector<16xi32>, vector<16xi32>], vector<16xi32>,
      %parallel_loop3A_87 = arith.constant 112 : i32
      %parallel_loop3A_88 = vector.broadcast %parallel_loop3A_87 : i32 to vector<16xi32>
      %parallel_loop3A_89 = arith.addi %parallel_loop3A_86, %parallel_loop3A_88 : vector<16xi32>
      %parallel_loop3A_90 = tpu.vector_load_idx %arg10[%parallel_loop3A_80, %broadcast_in_dim3A_27] : memref<512x5xi32, #tpu.memory_space<vmem>>[vector<16xi32>, vector<16xi32>], vector<16xi32>,
      %parallel_loop3A_91 = arith.constant 168 : i32
      %parallel_loop3A_92 = vector.broadcast %parallel_loop3A_91 : i32 to vector<16xi32>
      %parallel_loop3A_93 = arith.addi %parallel_loop3A_90, %parallel_loop3A_92 : vector<16xi32>
      %parallel_loop3A_94 = tpu.vector_load_idx %arg10[%parallel_loop3A_80, %broadcast_in_dim3A_29] : memref<512x5xi32, #tpu.memory_space<vmem>>[vector<16xi32>, vector<16xi32>], vector<16xi32>,
      %parallel_loop3A_95 = arith.constant 224 : i32
      %parallel_loop3A_96 = vector.broadcast %parallel_loop3A_95 : i32 to vector<16xi32>
      %parallel_loop3A_97 = arith.addi %parallel_loop3A_94, %parallel_loop3A_96 : vector<16xi32>
      %parallel_loop3A_98 = tpu.vector_load_idx %arg10[%parallel_loop3A_80, %broadcast_in_dim3A_31] : memref<512x5xi32, #tpu.memory_space<vmem>>[vector<16xi32>, vector<16xi32>], vector<16xi32>,
      %parallel_loop3A_99 = arith.constant 280 : i32
      %parallel_loop3A_100 = vector.broadcast %parallel_loop3A_99 : i32 to vector<16xi32>
      %parallel_loop3A_101 = arith.addi %parallel_loop3A_98, %parallel_loop3A_100 : vector<16xi32>
      %parallel_loop3A_102 = tpu.vector_load_idx %arg10[%parallel_loop3A_80, %broadcast_in_dim3A_33] : memref<512x5xi32, #tpu.memory_space<vmem>>[vector<16xi32>, vector<16xi32>], vector<16xi32>,
      %parallel_loop3A_103 = arith.constant 336 : i32
      %parallel_loop3A_104 = vector.broadcast %parallel_loop3A_103 : i32 to vector<16xi32>
      %parallel_loop3A_105 = arith.addi %parallel_loop3A_102, %parallel_loop3A_104 : vector<16xi32>
      %parallel_loop3A_106 = arith.constant 0 : i32
      %parallel_loop3A_107 = vector.broadcast %parallel_loop3A_106 : i32 to vector<16xi32>
      %parallel_loop3A_108 = arith.addi %parallel_loop3A_81, %parallel_loop3A_107 : vector<16xi32>
      %parallel_loop3A_109 = tpu.vector_load_idx %arg8[%parallel_loop3A_108] : memref<5376xf32, #tpu.memory_space<vmem>>[vector<16xi32>], vector<16xf32>,
      %parallel_loop3A_110 = arith.constant 0 : i32
      %parallel_loop3A_111 = vector.broadcast %parallel_loop3A_110 : i32 to vector<16xi32>
      %parallel_loop3A_112 = arith.addi %parallel_loop3A_85, %parallel_loop3A_111 : vector<16xi32>
      %parallel_loop3A_113 = tpu.vector_load_idx %arg8[%parallel_loop3A_112] : memref<5376xf32, #tpu.memory_space<vmem>>[vector<16xi32>], vector<16xf32>,
      %parallel_loop3A_114 = arith.addf %parallel_loop3A_109, %parallel_loop3A_113 : vector<16xf32>
      %parallel_loop3A_115 = arith.constant 0 : i32
      %parallel_loop3A_116 = vector.broadcast %parallel_loop3A_115 : i32 to vector<16xi32>
      %parallel_loop3A_117 = arith.addi %parallel_loop3A_89, %parallel_loop3A_116 : vector<16xi32>
      %parallel_loop3A_118 = tpu.vector_load_idx %arg8[%parallel_loop3A_117] : memref<5376xf32, #tpu.memory_space<vmem>>[vector<16xi32>], vector<16xf32>,
      %parallel_loop3A_119 = arith.addf %parallel_loop3A_114, %parallel_loop3A_118 : vector<16xf32>
      %parallel_loop3A_120 = arith.constant 0 : i32
      %parallel_loop3A_121 = vector.broadcast %parallel_loop3A_120 : i32 to vector<16xi32>
      %parallel_loop3A_122 = arith.addi %parallel_loop3A_93, %parallel_loop3A_121 : vector<16xi32>
      %parallel_loop3A_123 = tpu.vector_load_idx %arg8[%parallel_loop3A_122] : memref<5376xf32, #tpu.memory_space<vmem>>[vector<16xi32>], vector<16xf32>,
      %parallel_loop3A_124 = arith.addf %parallel_loop3A_119, %parallel_loop3A_123 : vector<16xf32>
      %parallel_loop3A_125 = arith.constant 0 : i32
      %parallel_loop3A_126 = vector.broadcast %parallel_loop3A_125 : i32 to vector<16xi32>
      %parallel_loop3A_127 = arith.addi %parallel_loop3A_97, %parallel_loop3A_126 : vector<16xi32>
      %parallel_loop3A_128 = tpu.vector_load_idx %arg8[%parallel_loop3A_127] : memref<5376xf32, #tpu.memory_space<vmem>>[vector<16xi32>], vector<16xf32>,
      %parallel_loop3A_129 = arith.addf %parallel_loop3A_124, %parallel_loop3A_128 : vector<16xf32>
      %parallel_loop3A_130 = arith.constant 0 : i32
      %parallel_loop3A_131 = vector.broadcast %parallel_loop3A_130 : i32 to vector<16xi32>
      %parallel_loop3A_132 = arith.addi %parallel_loop3A_101, %parallel_loop3A_131 : vector<16xi32>
      %parallel_loop3A_133 = tpu.vector_load_idx %arg8[%parallel_loop3A_132] : memref<5376xf32, #tpu.memory_space<vmem>>[vector<16xi32>], vector<16xf32>,
      %parallel_loop3A_134 = arith.addf %parallel_loop3A_129, %parallel_loop3A_133 : vector<16xf32>
      %parallel_loop3A_135 = arith.constant 0 : i32
      %parallel_loop3A_136 = vector.broadcast %parallel_loop3A_135 : i32 to vector<16xi32>
      %parallel_loop3A_137 = arith.addi %parallel_loop3A_105, %parallel_loop3A_136 : vector<16xi32>
      %parallel_loop3A_138 = tpu.vector_load_idx %arg8[%parallel_loop3A_137] : memref<5376xf32, #tpu.memory_space<vmem>>[vector<16xi32>], vector<16xf32>,
      %parallel_loop3A_139 = arith.addf %parallel_loop3A_134, %parallel_loop3A_138 : vector<16xf32>
      tpu.vector_store_idx %arg11[%parallel_loop3A_80, %broadcast_in_dim3A_25], %parallel_loop3A_139 : memref<512x10xf32, #tpu.memory_space<vmem>>[vector<16xi32>, vector<16xi32>], vector<16xf32>,
      %parallel_loop3A_140 = arith.constant 448 : i32
      %parallel_loop3A_141 = vector.broadcast %parallel_loop3A_140 : i32 to vector<16xi32>
      %parallel_loop3A_142 = arith.addi %parallel_loop3A_81, %parallel_loop3A_141 : vector<16xi32>
      %parallel_loop3A_143 = tpu.vector_load_idx %arg8[%parallel_loop3A_142] : memref<5376xf32, #tpu.memory_space<vmem>>[vector<16xi32>], vector<16xf32>,
      %parallel_loop3A_144 = arith.constant 448 : i32
      %parallel_loop3A_145 = vector.broadcast %parallel_loop3A_144 : i32 to vector<16xi32>
      %parallel_loop3A_146 = arith.addi %parallel_loop3A_85, %parallel_loop3A_145 : vector<16xi32>
      %parallel_loop3A_147 = tpu.vector_load_idx %arg8[%parallel_loop3A_146] : memref<5376xf32, #tpu.memory_space<vmem>>[vector<16xi32>], vector<16xf32>,
      %parallel_loop3A_148 = arith.addf %parallel_loop3A_143, %parallel_loop3A_147 : vector<16xf32>
      %parallel_loop3A_149 = arith.constant 448 : i32
      %parallel_loop3A_150 = vector.broadcast %parallel_loop3A_149 : i32 to vector<16xi32>
      %parallel_loop3A_151 = arith.addi %parallel_loop3A_89, %parallel_loop3A_150 : vector<16xi32>
      %parallel_loop3A_152 = tpu.vector_load_idx %arg8[%parallel_loop3A_151] : memref<5376xf32, #tpu.memory_space<vmem>>[vector<16xi32>], vector<16xf32>,
      %parallel_loop3A_153 = arith.addf %parallel_loop3A_148, %parallel_loop3A_152 : vector<16xf32>
      %parallel_loop3A_154 = arith.constant 448 : i32
      %parallel_loop3A_155 = vector.broadcast %parallel_loop3A_154 : i32 to vector<16xi32>
      %parallel_loop3A_156 = arith.addi %parallel_loop3A_93, %parallel_loop3A_155 : vector<16xi32>
      %parallel_loop3A_157 = tpu.vector_load_idx %arg8[%parallel_loop3A_156] : memref<5376xf32, #tpu.memory_space<vmem>>[vector<16xi32>], vector<16xf32>,
      %parallel_loop3A_158 = arith.addf %parallel_loop3A_153, %parallel_loop3A_157 : vector<16xf32>
      %parallel_loop3A_159 = arith.constant 448 : i32
      %parallel_loop3A_160 = vector.broadcast %parallel_loop3A_159 : i32 to vector<16xi32>
      %parallel_loop3A_161 = arith.addi %parallel_loop3A_97, %parallel_loop3A_160 : vector<16xi32>
      %parallel_loop3A_162 = tpu.vector_load_idx %arg8[%parallel_loop3A_161] : memref<5376xf32, #tpu.memory_space<vmem>>[vector<16xi32>], vector<16xf32>,
      %parallel_loop3A_163 = arith.addf %parallel_loop3A_158, %parallel_loop3A_162 : vector<16xf32>
      %parallel_loop3A_164 = arith.constant 448 : i32
      %parallel_loop3A_165 = vector.broadcast %parallel_loop3A_164 : i32 to vector<16xi32>
      %parallel_loop3A_166 = arith.addi %parallel_loop3A_101, %parallel_loop3A_165 : vector<16xi32>
      %parallel_loop3A_167 = tpu.vector_load_idx %arg8[%parallel_loop3A_166] : memref<5376xf32, #tpu.memory_space<vmem>>[vector<16xi32>], vector<16xf32>,
      %parallel_loop3A_168 = arith.addf %parallel_loop3A_163, %parallel_loop3A_167 : vector<16xf32>
      %parallel_loop3A_169 = arith.constant 448 : i32
      %parallel_loop3A_170 = vector.broadcast %parallel_loop3A_169 : i32 to vector<16xi32>
      %parallel_loop3A_171 = arith.addi %parallel_loop3A_105, %parallel_loop3A_170 : vector<16xi32>
      %parallel_loop3A_172 = tpu.vector_load_idx %arg8[%parallel_loop3A_171] : memref<5376xf32, #tpu.memory_space<vmem>>[vector<16xi32>], vector<16xf32>,
      %parallel_loop3A_173 = arith.addf %parallel_loop3A_168, %parallel_loop3A_172 : vector<16xf32>
      tpu.vector_store_idx %arg11[%parallel_loop3A_80, %broadcast_in_dim3A_27], %parallel_loop3A_173 : memref<512x10xf32, #tpu.memory_space<vmem>>[vector<16xi32>, vector<16xi32>], vector<16xf32>,
      %parallel_loop3A_174 = arith.constant 896 : i32
      %parallel_loop3A_175 = vector.broadcast %parallel_loop3A_174 : i32 to vector<16xi32>
      %parallel_loop3A_176 = arith.addi %parallel_loop3A_81, %parallel_loop3A_175 : vector<16xi32>
      %parallel_loop3A_177 = tpu.vector_load_idx %arg8[%parallel_loop3A_176] : memref<5376xf32, #tpu.memory_space<vmem>>[vector<16xi32>], vector<16xf32>,
      %parallel_loop3A_178 = arith.constant 896 : i32
      %parallel_loop3A_179 = vector.broadcast %parallel_loop3A_178 : i32 to vector<16xi32>
      %parallel_loop3A_180 = arith.addi %parallel_loop3A_85, %parallel_loop3A_179 : vector<16xi32>
      %parallel_loop3A_181 = tpu.vector_load_idx %arg8[%parallel_loop3A_180] : memref<5376xf32, #tpu.memory_space<vmem>>[vector<16xi32>], vector<16xf32>,
      %parallel_loop3A_182 = arith.addf %parallel_loop3A_177, %parallel_loop3A_181 : vector<16xf32>
      %parallel_loop3A_183 = arith.constant 896 : i32
      %parallel_loop3A_184 = vector.broadcast %parallel_loop3A_183 : i32 to vector<16xi32>
      %parallel_loop3A_185 = arith.addi %parallel_loop3A_89, %parallel_loop3A_184 : vector<16xi32>
      %parallel_loop3A_186 = tpu.vector_load_idx %arg8[%parallel_loop3A_185] : memref<5376xf32, #tpu.memory_space<vmem>>[vector<16xi32>], vector<16xf32>,
      %parallel_loop3A_187 = arith.addf %parallel_loop3A_182, %parallel_loop3A_186 : vector<16xf32>
      %parallel_loop3A_188 = arith.constant 896 : i32
      %parallel_loop3A_189 = vector.broadcast %parallel_loop3A_188 : i32 to vector<16xi32>
      %parallel_loop3A_190 = arith.addi %parallel_loop3A_93, %parallel_loop3A_189 : vector<16xi32>
      %parallel_loop3A_191 = tpu.vector_load_idx %arg8[%parallel_loop3A_190] : memref<5376xf32, #tpu.memory_space<vmem>>[vector<16xi32>], vector<16xf32>,
      %parallel_loop3A_192 = arith.addf %parallel_loop3A_187, %parallel_loop3A_191 : vector<16xf32>
      %parallel_loop3A_193 = arith.constant 896 : i32
      %parallel_loop3A_194 = vector.broadcast %parallel_loop3A_193 : i32 to vector<16xi32>
      %parallel_loop3A_195 = arith.addi %parallel_loop3A_97, %parallel_loop3A_194 : vector<16xi32>
      %parallel_loop3A_196 = tpu.vector_load_idx %arg8[%parallel_loop3A_195] : memref<5376xf32, #tpu.memory_space<vmem>>[vector<16xi32>], vector<16xf32>,
      %parallel_loop3A_197 = arith.addf %parallel_loop3A_192, %parallel_loop3A_196 : vector<16xf32>
      %parallel_loop3A_198 = arith.constant 896 : i32
      %parallel_loop3A_199 = vector.broadcast %parallel_loop3A_198 : i32 to vector<16xi32>
      %parallel_loop3A_200 = arith.addi %parallel_loop3A_101, %parallel_loop3A_199 : vector<16xi32>
      %parallel_loop3A_201 = tpu.vector_load_idx %arg8[%parallel_loop3A_200] : memref<5376xf32, #tpu.memory_space<vmem>>[vector<16xi32>], vector<16xf32>,
      %parallel_loop3A_202 = arith.addf %parallel_loop3A_197, %parallel_loop3A_201 : vector<16xf32>
      %parallel_loop3A_203 = arith.constant 896 : i32
      %parallel_loop3A_204 = vector.broadcast %parallel_loop3A_203 : i32 to vector<16xi32>
      %parallel_loop3A_205 = arith.addi %parallel_loop3A_105, %parallel_loop3A_204 : vector<16xi32>
      %parallel_loop3A_206 = tpu.vector_load_idx %arg8[%parallel_loop3A_205] : memref<5376xf32, #tpu.memory_space<vmem>>[vector<16xi32>], vector<16xf32>,
      %parallel_loop3A_207 = arith.addf %parallel_loop3A_202, %parallel_loop3A_206 : vector<16xf32>
      tpu.vector_store_idx %arg11[%parallel_loop3A_80, %broadcast_in_dim3A_29], %parallel_loop3A_207 : memref<512x10xf32, #tpu.memory_space<vmem>>[vector<16xi32>, vector<16xi32>], vector<16xf32>,
      %parallel_loop3A_208 = arith.constant 1344 : i32
      %parallel_loop3A_209 = vector.broadcast %parallel_loop3A_208 : i32 to vector<16xi32>
      %parallel_loop3A_210 = arith.addi %parallel_loop3A_81, %parallel_loop3A_209 : vector<16xi32>
      %parallel_loop3A_211 = tpu.vector_load_idx %arg8[%parallel_loop3A_210] : memref<5376xf32, #tpu.memory_space<vmem>>[vector<16xi32>], vector<16xf32>,
      %parallel_loop3A_212 = arith.constant 1344 : i32
      %parallel_loop3A_213 = vector.broadcast %parallel_loop3A_212 : i32 to vector<16xi32>
      %parallel_loop3A_214 = arith.addi %parallel_loop3A_85, %parallel_loop3A_213 : vector<16xi32>
      %parallel_loop3A_215 = tpu.vector_load_idx %arg8[%parallel_loop3A_214] : memref<5376xf32, #tpu.memory_space<vmem>>[vector<16xi32>], vector<16xf32>,
      %parallel_loop3A_216 = arith.addf %parallel_loop3A_211, %parallel_loop3A_215 : vector<16xf32>
      %parallel_loop3A_217 = arith.constant 1344 : i32
      %parallel_loop3A_218 = vector.broadcast %parallel_loop3A_217 : i32 to vector<16xi32>
      %parallel_loop3A_219 = arith.addi %parallel_loop3A_89, %parallel_loop3A_218 : vector<16xi32>
      %parallel_loop3A_220 = tpu.vector_load_idx %arg8[%parallel_loop3A_219] : memref<5376xf32, #tpu.memory_space<vmem>>[vector<16xi32>], vector<16xf32>,
      %parallel_loop3A_221 = arith.addf %parallel_loop3A_216, %parallel_loop3A_220 : vector<16xf32>
      %parallel_loop3A_222 = arith.constant 1344 : i32
      %parallel_loop3A_223 = vector.broadcast %parallel_loop3A_222 : i32 to vector<16xi32>
      %parallel_loop3A_224 = arith.addi %parallel_loop3A_93, %parallel_loop3A_223 : vector<16xi32>
      %parallel_loop3A_225 = tpu.vector_load_idx %arg8[%parallel_loop3A_224] : memref<5376xf32, #tpu.memory_space<vmem>>[vector<16xi32>], vector<16xf32>,
      %parallel_loop3A_226 = arith.addf %parallel_loop3A_221, %parallel_loop3A_225 : vector<16xf32>
      %parallel_loop3A_227 = arith.constant 1344 : i32
      %parallel_loop3A_228 = vector.broadcast %parallel_loop3A_227 : i32 to vector<16xi32>
      %parallel_loop3A_229 = arith.addi %parallel_loop3A_97, %parallel_loop3A_228 : vector<16xi32>
      %parallel_loop3A_230 = tpu.vector_load_idx %arg8[%parallel_loop3A_229] : memref<5376xf32, #tpu.memory_space<vmem>>[vector<16xi32>], vector<16xf32>,
      %parallel_loop3A_231 = arith.addf %parallel_loop3A_226, %parallel_loop3A_230 : vector<16xf32>
      %parallel_loop3A_232 = arith.constant 1344 : i32
      %parallel_loop3A_233 = vector.broadcast %parallel_loop3A_232 : i32 to vector<16xi32>
      %parallel_loop3A_234 = arith.addi %parallel_loop3A_101, %parallel_loop3A_233 : vector<16xi32>
      %parallel_loop3A_235 = tpu.vector_load_idx %arg8[%parallel_loop3A_234] : memref<5376xf32, #tpu.memory_space<vmem>>[vector<16xi32>], vector<16xf32>,
      %parallel_loop3A_236 = arith.addf %parallel_loop3A_231, %parallel_loop3A_235 : vector<16xf32>
      %parallel_loop3A_237 = arith.constant 1344 : i32
      %parallel_loop3A_238 = vector.broadcast %parallel_loop3A_237 : i32 to vector<16xi32>
      %parallel_loop3A_239 = arith.addi %parallel_loop3A_105, %parallel_loop3A_238 : vector<16xi32>
      %parallel_loop3A_240 = tpu.vector_load_idx %arg8[%parallel_loop3A_239] : memref<5376xf32, #tpu.memory_space<vmem>>[vector<16xi32>], vector<16xf32>,
      %parallel_loop3A_241 = arith.addf %parallel_loop3A_236, %parallel_loop3A_240 : vector<16xf32>
      tpu.vector_store_idx %arg11[%parallel_loop3A_80, %broadcast_in_dim3A_31], %parallel_loop3A_241 : memref<512x10xf32, #tpu.memory_space<vmem>>[vector<16xi32>, vector<16xi32>], vector<16xf32>,
      %parallel_loop3A_242 = arith.constant 1792 : i32
      %parallel_loop3A_243 = vector.broadcast %parallel_loop3A_242 : i32 to vector<16xi32>
      %parallel_loop3A_244 = arith.addi %parallel_loop3A_81, %parallel_loop3A_243 : vector<16xi32>
      %parallel_loop3A_245 = tpu.vector_load_idx %arg8[%parallel_loop3A_244] : memref<5376xf32, #tpu.memory_space<vmem>>[vector<16xi32>], vector<16xf32>,
      %parallel_loop3A_246 = arith.constant 1792 : i32
      %parallel_loop3A_247 = vector.broadcast %parallel_loop3A_246 : i32 to vector<16xi32>
      %parallel_loop3A_248 = arith.addi %parallel_loop3A_85, %parallel_loop3A_247 : vector<16xi32>
      %parallel_loop3A_249 = tpu.vector_load_idx %arg8[%parallel_loop3A_248] : memref<5376xf32, #tpu.memory_space<vmem>>[vector<16xi32>], vector<16xf32>,
      %parallel_loop3A_250 = arith.addf %parallel_loop3A_245, %parallel_loop3A_249 : vector<16xf32>
      %parallel_loop3A_251 = arith.constant 1792 : i32
      %parallel_loop3A_252 = vector.broadcast %parallel_loop3A_251 : i32 to vector<16xi32>
      %parallel_loop3A_253 = arith.addi %parallel_loop3A_89, %parallel_loop3A_252 : vector<16xi32>
      %parallel_loop3A_254 = tpu.vector_load_idx %arg8[%parallel_loop3A_253] : memref<5376xf32, #tpu.memory_space<vmem>>[vector<16xi32>], vector<16xf32>,
      %parallel_loop3A_255 = arith.addf %parallel_loop3A_250, %parallel_loop3A_254 : vector<16xf32>
      %parallel_loop3A_256 = arith.constant 1792 : i32
      %parallel_loop3A_257 = vector.broadcast %parallel_loop3A_256 : i32 to vector<16xi32>
      %parallel_loop3A_258 = arith.addi %parallel_loop3A_93, %parallel_loop3A_257 : vector<16xi32>
      %parallel_loop3A_259 = tpu.vector_load_idx %arg8[%parallel_loop3A_258] : memref<5376xf32, #tpu.memory_space<vmem>>[vector<16xi32>], vector<16xf32>,
      %parallel_loop3A_260 = arith.addf %parallel_loop3A_255, %parallel_loop3A_259 : vector<16xf32>
      %parallel_loop3A_261 = arith.constant 1792 : i32
      %parallel_loop3A_262 = vector.broadcast %parallel_loop3A_261 : i32 to vector<16xi32>
      %parallel_loop3A_263 = arith.addi %parallel_loop3A_97, %parallel_loop3A_262 : vector<16xi32>
      %parallel_loop3A_264 = tpu.vector_load_idx %arg8[%parallel_loop3A_263] : memref<5376xf32, #tpu.memory_space<vmem>>[vector<16xi32>], vector<16xf32>,
      %parallel_loop3A_265 = arith.addf %parallel_loop3A_260, %parallel_loop3A_264 : vector<16xf32>
      %parallel_loop3A_266 = arith.constant 1792 : i32
      %parallel_loop3A_267 = vector.broadcast %parallel_loop3A_266 : i32 to vector<16xi32>
      %parallel_loop3A_268 = arith.addi %parallel_loop3A_101, %parallel_loop3A_267 : vector<16xi32>
      %parallel_loop3A_269 = tpu.vector_load_idx %arg8[%parallel_loop3A_268] : memref<5376xf32, #tpu.memory_space<vmem>>[vector<16xi32>], vector<16xf32>,
      %parallel_loop3A_270 = arith.addf %parallel_loop3A_265, %parallel_loop3A_269 : vector<16xf32>
      %parallel_loop3A_271 = arith.constant 1792 : i32
      %parallel_loop3A_272 = vector.broadcast %parallel_loop3A_271 : i32 to vector<16xi32>
      %parallel_loop3A_273 = arith.addi %parallel_loop3A_105, %parallel_loop3A_272 : vector<16xi32>
      %parallel_loop3A_274 = tpu.vector_load_idx %arg8[%parallel_loop3A_273] : memref<5376xf32, #tpu.memory_space<vmem>>[vector<16xi32>], vector<16xf32>,
      %parallel_loop3A_275 = arith.addf %parallel_loop3A_270, %parallel_loop3A_274 : vector<16xf32>
      tpu.vector_store_idx %arg11[%parallel_loop3A_80, %broadcast_in_dim3A_33], %parallel_loop3A_275 : memref<512x10xf32, #tpu.memory_space<vmem>>[vector<16xi32>, vector<16xi32>], vector<16xf32>,
      %parallel_loop3A_276 = arith.constant 2240 : i32
      %parallel_loop3A_277 = vector.broadcast %parallel_loop3A_276 : i32 to vector<16xi32>
      %parallel_loop3A_278 = arith.addi %parallel_loop3A_81, %parallel_loop3A_277 : vector<16xi32>
      %parallel_loop3A_279 = tpu.vector_load_idx %arg8[%parallel_loop3A_278] : memref<5376xf32, #tpu.memory_space<vmem>>[vector<16xi32>], vector<16xf32>,
      %parallel_loop3A_280 = arith.constant 2240 : i32
      %parallel_loop3A_281 = vector.broadcast %parallel_loop3A_280 : i32 to vector<16xi32>
      %parallel_loop3A_282 = arith.addi %parallel_loop3A_85, %parallel_loop3A_281 : vector<16xi32>
      %parallel_loop3A_283 = tpu.vector_load_idx %arg8[%parallel_loop3A_282] : memref<5376xf32, #tpu.memory_space<vmem>>[vector<16xi32>], vector<16xf32>,
      %parallel_loop3A_284 = arith.addf %parallel_loop3A_279, %parallel_loop3A_283 : vector<16xf32>
      %parallel_loop3A_285 = arith.constant 2240 : i32
      %parallel_loop3A_286 = vector.broadcast %parallel_loop3A_285 : i32 to vector<16xi32>
      %parallel_loop3A_287 = arith.addi %parallel_loop3A_89, %parallel_loop3A_286 : vector<16xi32>
      %parallel_loop3A_288 = tpu.vector_load_idx %arg8[%parallel_loop3A_287] : memref<5376xf32, #tpu.memory_space<vmem>>[vector<16xi32>], vector<16xf32>,
      %parallel_loop3A_289 = arith.addf %parallel_loop3A_284, %parallel_loop3A_288 : vector<16xf32>
      %parallel_loop3A_290 = arith.constant 2240 : i32
      %parallel_loop3A_291 = vector.broadcast %parallel_loop3A_290 : i32 to vector<16xi32>
      %parallel_loop3A_292 = arith.addi %parallel_loop3A_93, %parallel_loop3A_291 : vector<16xi32>
      %parallel_loop3A_293 = tpu.vector_load_idx %arg8[%parallel_loop3A_292] : memref<5376xf32, #tpu.memory_space<vmem>>[vector<16xi32>], vector<16xf32>,
      %parallel_loop3A_294 = arith.addf %parallel_loop3A_289, %parallel_loop3A_293 : vector<16xf32>
      %parallel_loop3A_295 = arith.constant 2240 : i32
      %parallel_loop3A_296 = vector.broadcast %parallel_loop3A_295 : i32 to vector<16xi32>
      %parallel_loop3A_297 = arith.addi %parallel_loop3A_97, %parallel_loop3A_296 : vector<16xi32>
      %parallel_loop3A_298 = tpu.vector_load_idx %arg8[%parallel_loop3A_297] : memref<5376xf32, #tpu.memory_space<vmem>>[vector<16xi32>], vector<16xf32>,
      %parallel_loop3A_299 = arith.addf %parallel_loop3A_294, %parallel_loop3A_298 : vector<16xf32>
      %parallel_loop3A_300 = arith.constant 2240 : i32
      %parallel_loop3A_301 = vector.broadcast %parallel_loop3A_300 : i32 to vector<16xi32>
      %parallel_loop3A_302 = arith.addi %parallel_loop3A_101, %parallel_loop3A_301 : vector<16xi32>
      %parallel_loop3A_303 = tpu.vector_load_idx %arg8[%parallel_loop3A_302] : memref<5376xf32, #tpu.memory_space<vmem>>[vector<16xi32>], vector<16xf32>,
      %parallel_loop3A_304 = arith.addf %parallel_loop3A_299, %parallel_loop3A_303 : vector<16xf32>
      %parallel_loop3A_305 = arith.constant 2240 : i32
      %parallel_loop3A_306 = vector.broadcast %parallel_loop3A_305 : i32 to vector<16xi32>
      %parallel_loop3A_307 = arith.addi %parallel_loop3A_105, %parallel_loop3A_306 : vector<16xi32>
      %parallel_loop3A_308 = tpu.vector_load_idx %arg8[%parallel_loop3A_307] : memref<5376xf32, #tpu.memory_space<vmem>>[vector<16xi32>], vector<16xf32>,
      %parallel_loop3A_309 = arith.addf %parallel_loop3A_304, %parallel_loop3A_308 : vector<16xf32>
      tpu.vector_store_idx %arg11[%parallel_loop3A_80, %broadcast_in_dim3A_35], %parallel_loop3A_309 : memref<512x10xf32, #tpu.memory_space<vmem>>[vector<16xi32>, vector<16xi32>], vector<16xf32>,
      %parallel_loop3A_310 = arith.constant 2688 : i32
      %parallel_loop3A_311 = vector.broadcast %parallel_loop3A_310 : i32 to vector<16xi32>
      %parallel_loop3A_312 = arith.addi %parallel_loop3A_81, %parallel_loop3A_311 : vector<16xi32>
      %parallel_loop3A_313 = tpu.vector_load_idx %arg8[%parallel_loop3A_312] : memref<5376xf32, #tpu.memory_space<vmem>>[vector<16xi32>], vector<16xf32>,
      %parallel_loop3A_314 = arith.constant 2688 : i32
      %parallel_loop3A_315 = vector.broadcast %parallel_loop3A_314 : i32 to vector<16xi32>
      %parallel_loop3A_316 = arith.addi %parallel_loop3A_85, %parallel_loop3A_315 : vector<16xi32>
      %parallel_loop3A_317 = tpu.vector_load_idx %arg8[%parallel_loop3A_316] : memref<5376xf32, #tpu.memory_space<vmem>>[vector<16xi32>], vector<16xf32>,
      %parallel_loop3A_318 = arith.addf %parallel_loop3A_313, %parallel_loop3A_317 : vector<16xf32>
      %parallel_loop3A_319 = arith.constant 2688 : i32
      %parallel_loop3A_320 = vector.broadcast %parallel_loop3A_319 : i32 to vector<16xi32>
      %parallel_loop3A_321 = arith.addi %parallel_loop3A_89, %parallel_loop3A_320 : vector<16xi32>
      %parallel_loop3A_322 = tpu.vector_load_idx %arg8[%parallel_loop3A_321] : memref<5376xf32, #tpu.memory_space<vmem>>[vector<16xi32>], vector<16xf32>,
      %parallel_loop3A_323 = arith.addf %parallel_loop3A_318, %parallel_loop3A_322 : vector<16xf32>
      %parallel_loop3A_324 = arith.constant 2688 : i32
      %parallel_loop3A_325 = vector.broadcast %parallel_loop3A_324 : i32 to vector<16xi32>
      %parallel_loop3A_326 = arith.addi %parallel_loop3A_93, %parallel_loop3A_325 : vector<16xi32>
      %parallel_loop3A_327 = tpu.vector_load_idx %arg8[%parallel_loop3A_326] : memref<5376xf32, #tpu.memory_space<vmem>>[vector<16xi32>], vector<16xf32>,
      %parallel_loop3A_328 = arith.addf %parallel_loop3A_323, %parallel_loop3A_327 : vector<16xf32>
      %parallel_loop3A_329 = arith.constant 2688 : i32
      %parallel_loop3A_330 = vector.broadcast %parallel_loop3A_329 : i32 to vector<16xi32>
      %parallel_loop3A_331 = arith.addi %parallel_loop3A_97, %parallel_loop3A_330 : vector<16xi32>
      %parallel_loop3A_332 = tpu.vector_load_idx %arg8[%parallel_loop3A_331] : memref<5376xf32, #tpu.memory_space<vmem>>[vector<16xi32>], vector<16xf32>,
      %parallel_loop3A_333 = arith.addf %parallel_loop3A_328, %parallel_loop3A_332 : vector<16xf32>
      %parallel_loop3A_334 = arith.constant 2688 : i32
      %parallel_loop3A_335 = vector.broadcast %parallel_loop3A_334 : i32 to vector<16xi32>
      %parallel_loop3A_336 = arith.addi %parallel_loop3A_101, %parallel_loop3A_335 : vector<16xi32>
      %parallel_loop3A_337 = tpu.vector_load_idx %arg8[%parallel_loop3A_336] : memref<5376xf32, #tpu.memory_space<vmem>>[vector<16xi32>], vector<16xf32>,
      %parallel_loop3A_338 = arith.addf %parallel_loop3A_333, %parallel_loop3A_337 : vector<16xf32>
      %parallel_loop3A_339 = arith.constant 2688 : i32
      %parallel_loop3A_340 = vector.broadcast %parallel_loop3A_339 : i32 to vector<16xi32>
      %parallel_loop3A_341 = arith.addi %parallel_loop3A_105, %parallel_loop3A_340 : vector<16xi32>
      %parallel_loop3A_342 = tpu.vector_load_idx %arg8[%parallel_loop3A_341] : memref<5376xf32, #tpu.memory_space<vmem>>[vector<16xi32>], vector<16xf32>,
      %parallel_loop3A_343 = arith.addf %parallel_loop3A_338, %parallel_loop3A_342 : vector<16xf32>
      tpu.vector_store_idx %arg11[%parallel_loop3A_80, %broadcast_in_dim3A_37], %parallel_loop3A_343 : memref<512x10xf32, #tpu.memory_space<vmem>>[vector<16xi32>, vector<16xi32>], vector<16xf32>,
      %parallel_loop3A_344 = arith.constant 3136 : i32
      %parallel_loop3A_345 = vector.broadcast %parallel_loop3A_344 : i32 to vector<16xi32>
      %parallel_loop3A_346 = arith.addi %parallel_loop3A_81, %parallel_loop3A_345 : vector<16xi32>
      %parallel_loop3A_347 = tpu.vector_load_idx %arg8[%parallel_loop3A_346] : memref<5376xf32, #tpu.memory_space<vmem>>[vector<16xi32>], vector<16xf32>,
      %parallel_loop3A_348 = arith.constant 3136 : i32
      %parallel_loop3A_349 = vector.broadcast %parallel_loop3A_348 : i32 to vector<16xi32>
      %parallel_loop3A_350 = arith.addi %parallel_loop3A_85, %parallel_loop3A_349 : vector<16xi32>
      %parallel_loop3A_351 = tpu.vector_load_idx %arg8[%parallel_loop3A_350] : memref<5376xf32, #tpu.memory_space<vmem>>[vector<16xi32>], vector<16xf32>,
      %parallel_loop3A_352 = arith.addf %parallel_loop3A_347, %parallel_loop3A_351 : vector<16xf32>
      %parallel_loop3A_353 = arith.constant 3136 : i32
      %parallel_loop3A_354 = vector.broadcast %parallel_loop3A_353 : i32 to vector<16xi32>
      %parallel_loop3A_355 = arith.addi %parallel_loop3A_89, %parallel_loop3A_354 : vector<16xi32>
      %parallel_loop3A_356 = tpu.vector_load_idx %arg8[%parallel_loop3A_355] : memref<5376xf32, #tpu.memory_space<vmem>>[vector<16xi32>], vector<16xf32>,
      %parallel_loop3A_357 = arith.addf %parallel_loop3A_352, %parallel_loop3A_356 : vector<16xf32>
      %parallel_loop3A_358 = arith.constant 3136 : i32
      %parallel_loop3A_359 = vector.broadcast %parallel_loop3A_358 : i32 to vector<16xi32>
      %parallel_loop3A_360 = arith.addi %parallel_loop3A_93, %parallel_loop3A_359 : vector<16xi32>
      %parallel_loop3A_361 = tpu.vector_load_idx %arg8[%parallel_loop3A_360] : memref<5376xf32, #tpu.memory_space<vmem>>[vector<16xi32>], vector<16xf32>,
      %parallel_loop3A_362 = arith.addf %parallel_loop3A_357, %parallel_loop3A_361 : vector<16xf32>
      %parallel_loop3A_363 = arith.constant 3136 : i32
      %parallel_loop3A_364 = vector.broadcast %parallel_loop3A_363 : i32 to vector<16xi32>
      %parallel_loop3A_365 = arith.addi %parallel_loop3A_97, %parallel_loop3A_364 : vector<16xi32>
      %parallel_loop3A_366 = tpu.vector_load_idx %arg8[%parallel_loop3A_365] : memref<5376xf32, #tpu.memory_space<vmem>>[vector<16xi32>], vector<16xf32>,
      %parallel_loop3A_367 = arith.addf %parallel_loop3A_362, %parallel_loop3A_366 : vector<16xf32>
      %parallel_loop3A_368 = arith.constant 3136 : i32
      %parallel_loop3A_369 = vector.broadcast %parallel_loop3A_368 : i32 to vector<16xi32>
      %parallel_loop3A_370 = arith.addi %parallel_loop3A_101, %parallel_loop3A_369 : vector<16xi32>
      %parallel_loop3A_371 = tpu.vector_load_idx %arg8[%parallel_loop3A_370] : memref<5376xf32, #tpu.memory_space<vmem>>[vector<16xi32>], vector<16xf32>,
      %parallel_loop3A_372 = arith.addf %parallel_loop3A_367, %parallel_loop3A_371 : vector<16xf32>
      %parallel_loop3A_373 = arith.constant 3136 : i32
      %parallel_loop3A_374 = vector.broadcast %parallel_loop3A_373 : i32 to vector<16xi32>
      %parallel_loop3A_375 = arith.addi %parallel_loop3A_105, %parallel_loop3A_374 : vector<16xi32>
      %parallel_loop3A_376 = tpu.vector_load_idx %arg8[%parallel_loop3A_375] : memref<5376xf32, #tpu.memory_space<vmem>>[vector<16xi32>], vector<16xf32>,
      %parallel_loop3A_377 = arith.addf %parallel_loop3A_372, %parallel_loop3A_376 : vector<16xf32>
      tpu.vector_store_idx %arg11[%parallel_loop3A_80, %broadcast_in_dim3A_39], %parallel_loop3A_377 : memref<512x10xf32, #tpu.memory_space<vmem>>[vector<16xi32>, vector<16xi32>], vector<16xf32>,
      %parallel_loop3A_378 = arith.constant 3584 : i32
      %parallel_loop3A_379 = vector.broadcast %parallel_loop3A_378 : i32 to vector<16xi32>
      %parallel_loop3A_380 = arith.addi %parallel_loop3A_81, %parallel_loop3A_379 : vector<16xi32>
      %parallel_loop3A_381 = tpu.vector_load_idx %arg8[%parallel_loop3A_380] : memref<5376xf32, #tpu.memory_space<vmem>>[vector<16xi32>], vector<16xf32>,
      %parallel_loop3A_382 = arith.constant 3584 : i32
      %parallel_loop3A_383 = vector.broadcast %parallel_loop3A_382 : i32 to vector<16xi32>
      %parallel_loop3A_384 = arith.addi %parallel_loop3A_85, %parallel_loop3A_383 : vector<16xi32>
      %parallel_loop3A_385 = tpu.vector_load_idx %arg8[%parallel_loop3A_384] : memref<5376xf32, #tpu.memory_space<vmem>>[vector<16xi32>], vector<16xf32>,
      %parallel_loop3A_386 = arith.addf %parallel_loop3A_381, %parallel_loop3A_385 : vector<16xf32>
      %parallel_loop3A_387 = arith.constant 3584 : i32
      %parallel_loop3A_388 = vector.broadcast %parallel_loop3A_387 : i32 to vector<16xi32>
      %parallel_loop3A_389 = arith.addi %parallel_loop3A_89, %parallel_loop3A_388 : vector<16xi32>
      %parallel_loop3A_390 = tpu.vector_load_idx %arg8[%parallel_loop3A_389] : memref<5376xf32, #tpu.memory_space<vmem>>[vector<16xi32>], vector<16xf32>,
      %parallel_loop3A_391 = arith.addf %parallel_loop3A_386, %parallel_loop3A_390 : vector<16xf32>
      %parallel_loop3A_392 = arith.constant 3584 : i32
      %parallel_loop3A_393 = vector.broadcast %parallel_loop3A_392 : i32 to vector<16xi32>
      %parallel_loop3A_394 = arith.addi %parallel_loop3A_93, %parallel_loop3A_393 : vector<16xi32>
      %parallel_loop3A_395 = tpu.vector_load_idx %arg8[%parallel_loop3A_394] : memref<5376xf32, #tpu.memory_space<vmem>>[vector<16xi32>], vector<16xf32>,
      %parallel_loop3A_396 = arith.addf %parallel_loop3A_391, %parallel_loop3A_395 : vector<16xf32>
      %parallel_loop3A_397 = arith.constant 3584 : i32
      %parallel_loop3A_398 = vector.broadcast %parallel_loop3A_397 : i32 to vector<16xi32>
      %parallel_loop3A_399 = arith.addi %parallel_loop3A_97, %parallel_loop3A_398 : vector<16xi32>
      %parallel_loop3A_400 = tpu.vector_load_idx %arg8[%parallel_loop3A_399] : memref<5376xf32, #tpu.memory_space<vmem>>[vector<16xi32>], vector<16xf32>,
      %parallel_loop3A_401 = arith.addf %parallel_loop3A_396, %parallel_loop3A_400 : vector<16xf32>
      %parallel_loop3A_402 = arith.constant 3584 : i32
      %parallel_loop3A_403 = vector.broadcast %parallel_loop3A_402 : i32 to vector<16xi32>
      %parallel_loop3A_404 = arith.addi %parallel_loop3A_101, %parallel_loop3A_403 : vector<16xi32>
      %parallel_loop3A_405 = tpu.vector_load_idx %arg8[%parallel_loop3A_404] : memref<5376xf32, #tpu.memory_space<vmem>>[vector<16xi32>], vector<16xf32>,
      %parallel_loop3A_406 = arith.addf %parallel_loop3A_401, %parallel_loop3A_405 : vector<16xf32>
      %parallel_loop3A_407 = arith.constant 3584 : i32
      %parallel_loop3A_408 = vector.broadcast %parallel_loop3A_407 : i32 to vector<16xi32>
      %parallel_loop3A_409 = arith.addi %parallel_loop3A_105, %parallel_loop3A_408 : vector<16xi32>
      %parallel_loop3A_410 = tpu.vector_load_idx %arg8[%parallel_loop3A_409] : memref<5376xf32, #tpu.memory_space<vmem>>[vector<16xi32>], vector<16xf32>,
      %parallel_loop3A_411 = arith.addf %parallel_loop3A_406, %parallel_loop3A_410 : vector<16xf32>
      tpu.vector_store_idx %arg11[%parallel_loop3A_80, %broadcast_in_dim3A_41], %parallel_loop3A_411 : memref<512x10xf32, #tpu.memory_space<vmem>>[vector<16xi32>, vector<16xi32>], vector<16xf32>,
      %parallel_loop3A_412 = arith.constant 4032 : i32
      %parallel_loop3A_413 = vector.broadcast %parallel_loop3A_412 : i32 to vector<16xi32>
      %parallel_loop3A_414 = arith.addi %parallel_loop3A_81, %parallel_loop3A_413 : vector<16xi32>
      %parallel_loop3A_415 = tpu.vector_load_idx %arg8[%parallel_loop3A_414] : memref<5376xf32, #tpu.memory_space<vmem>>[vector<16xi32>], vector<16xf32>,
      %parallel_loop3A_416 = arith.constant 4032 : i32
      %parallel_loop3A_417 = vector.broadcast %parallel_loop3A_416 : i32 to vector<16xi32>
      %parallel_loop3A_418 = arith.addi %parallel_loop3A_85, %parallel_loop3A_417 : vector<16xi32>
      %parallel_loop3A_419 = tpu.vector_load_idx %arg8[%parallel_loop3A_418] : memref<5376xf32, #tpu.memory_space<vmem>>[vector<16xi32>], vector<16xf32>,
      %parallel_loop3A_420 = arith.addf %parallel_loop3A_415, %parallel_loop3A_419 : vector<16xf32>
      %parallel_loop3A_421 = arith.constant 4032 : i32
      %parallel_loop3A_422 = vector.broadcast %parallel_loop3A_421 : i32 to vector<16xi32>
      %parallel_loop3A_423 = arith.addi %parallel_loop3A_89, %parallel_loop3A_422 : vector<16xi32>
      %parallel_loop3A_424 = tpu.vector_load_idx %arg8[%parallel_loop3A_423] : memref<5376xf32, #tpu.memory_space<vmem>>[vector<16xi32>], vector<16xf32>,
      %parallel_loop3A_425 = arith.addf %parallel_loop3A_420, %parallel_loop3A_424 : vector<16xf32>
      %parallel_loop3A_426 = arith.constant 4032 : i32
      %parallel_loop3A_427 = vector.broadcast %parallel_loop3A_426 : i32 to vector<16xi32>
      %parallel_loop3A_428 = arith.addi %parallel_loop3A_93, %parallel_loop3A_427 : vector<16xi32>
      %parallel_loop3A_429 = tpu.vector_load_idx %arg8[%parallel_loop3A_428] : memref<5376xf32, #tpu.memory_space<vmem>>[vector<16xi32>], vector<16xf32>,
      %parallel_loop3A_430 = arith.addf %parallel_loop3A_425, %parallel_loop3A_429 : vector<16xf32>
      %parallel_loop3A_431 = arith.constant 4032 : i32
      %parallel_loop3A_432 = vector.broadcast %parallel_loop3A_431 : i32 to vector<16xi32>
      %parallel_loop3A_433 = arith.addi %parallel_loop3A_97, %parallel_loop3A_432 : vector<16xi32>
      %parallel_loop3A_434 = tpu.vector_load_idx %arg8[%parallel_loop3A_433] : memref<5376xf32, #tpu.memory_space<vmem>>[vector<16xi32>], vector<16xf32>,
      %parallel_loop3A_435 = arith.addf %parallel_loop3A_430, %parallel_loop3A_434 : vector<16xf32>
      %parallel_loop3A_436 = arith.constant 4032 : i32
      %parallel_loop3A_437 = vector.broadcast %parallel_loop3A_436 : i32 to vector<16xi32>
      %parallel_loop3A_438 = arith.addi %parallel_loop3A_101, %parallel_loop3A_437 : vector<16xi32>
      %parallel_loop3A_439 = tpu.vector_load_idx %arg8[%parallel_loop3A_438] : memref<5376xf32, #tpu.memory_space<vmem>>[vector<16xi32>], vector<16xf32>,
      %parallel_loop3A_440 = arith.addf %parallel_loop3A_435, %parallel_loop3A_439 : vector<16xf32>
      %parallel_loop3A_441 = arith.constant 4032 : i32
      %parallel_loop3A_442 = vector.broadcast %parallel_loop3A_441 : i32 to vector<16xi32>
      %parallel_loop3A_443 = arith.addi %parallel_loop3A_105, %parallel_loop3A_442 : vector<16xi32>
      %parallel_loop3A_444 = tpu.vector_load_idx %arg8[%parallel_loop3A_443] : memref<5376xf32, #tpu.memory_space<vmem>>[vector<16xi32>], vector<16xf32>,
      %parallel_loop3A_445 = arith.addf %parallel_loop3A_440, %parallel_loop3A_444 : vector<16xf32>
      tpu.vector_store_idx %arg11[%parallel_loop3A_80, %broadcast_in_dim3A_43], %parallel_loop3A_445 : memref<512x10xf32, #tpu.memory_space<vmem>>[vector<16xi32>, vector<16xi32>], vector<16xf32>,
      %parallel_loop3A_446 = arith.constant 4480 : i32
      %parallel_loop3A_447 = vector.broadcast %parallel_loop3A_446 : i32 to vector<16xi32>
      %parallel_loop3A_448 = arith.addi %parallel_loop3A_81, %parallel_loop3A_447 : vector<16xi32>
      %parallel_loop3A_449 = tpu.vector_load_idx %arg8[%parallel_loop3A_448] : memref<5376xf32, #tpu.memory_space<vmem>>[vector<16xi32>], vector<16xf32>,
      %parallel_loop3A_450 = arith.constant 4480 : i32
      %parallel_loop3A_451 = vector.broadcast %parallel_loop3A_450 : i32 to vector<16xi32>
      %parallel_loop3A_452 = arith.addi %parallel_loop3A_85, %parallel_loop3A_451 : vector<16xi32>
      %parallel_loop3A_453 = tpu.vector_load_idx %arg8[%parallel_loop3A_452] : memref<5376xf32, #tpu.memory_space<vmem>>[vector<16xi32>], vector<16xf32>,
      %parallel_loop3A_454 = arith.addf %parallel_loop3A_449, %parallel_loop3A_453 : vector<16xf32>
      %parallel_loop3A_455 = arith.constant 4480 : i32
      %parallel_loop3A_456 = vector.broadcast %parallel_loop3A_455 : i32 to vector<16xi32>
      %parallel_loop3A_457 = arith.addi %parallel_loop3A_89, %parallel_loop3A_456 : vector<16xi32>
      %parallel_loop3A_458 = tpu.vector_load_idx %arg8[%parallel_loop3A_457] : memref<5376xf32, #tpu.memory_space<vmem>>[vector<16xi32>], vector<16xf32>,
      %parallel_loop3A_459 = arith.addf %parallel_loop3A_454, %parallel_loop3A_458 : vector<16xf32>
      %parallel_loop3A_460 = arith.constant 4480 : i32
      %parallel_loop3A_461 = vector.broadcast %parallel_loop3A_460 : i32 to vector<16xi32>
      %parallel_loop3A_462 = arith.addi %parallel_loop3A_93, %parallel_loop3A_461 : vector<16xi32>
      %parallel_loop3A_463 = tpu.vector_load_idx %arg8[%parallel_loop3A_462] : memref<5376xf32, #tpu.memory_space<vmem>>[vector<16xi32>], vector<16xf32>,
      %parallel_loop3A_464 = arith.addf %parallel_loop3A_459, %parallel_loop3A_463 : vector<16xf32>
      %parallel_loop3A_465 = arith.constant 4480 : i32
      %parallel_loop3A_466 = vector.broadcast %parallel_loop3A_465 : i32 to vector<16xi32>
      %parallel_loop3A_467 = arith.addi %parallel_loop3A_97, %parallel_loop3A_466 : vector<16xi32>
      %parallel_loop3A_468 = tpu.vector_load_idx %arg8[%parallel_loop3A_467] : memref<5376xf32, #tpu.memory_space<vmem>>[vector<16xi32>], vector<16xf32>,
      %parallel_loop3A_469 = arith.addf %parallel_loop3A_464, %parallel_loop3A_468 : vector<16xf32>
      %parallel_loop3A_470 = arith.constant 4480 : i32
      %parallel_loop3A_471 = vector.broadcast %parallel_loop3A_470 : i32 to vector<16xi32>
      %parallel_loop3A_472 = arith.addi %parallel_loop3A_101, %parallel_loop3A_471 : vector<16xi32>
      %parallel_loop3A_473 = tpu.vector_load_idx %arg8[%parallel_loop3A_472] : memref<5376xf32, #tpu.memory_space<vmem>>[vector<16xi32>], vector<16xf32>,
      %parallel_loop3A_474 = arith.addf %parallel_loop3A_469, %parallel_loop3A_473 : vector<16xf32>
      %parallel_loop3A_475 = arith.constant 4480 : i32
      %parallel_loop3A_476 = vector.broadcast %parallel_loop3A_475 : i32 to vector<16xi32>
      %parallel_loop3A_477 = arith.addi %parallel_loop3A_105, %parallel_loop3A_476 : vector<16xi32>
      %parallel_loop3A_478 = tpu.vector_load_idx %arg8[%parallel_loop3A_477] : memref<5376xf32, #tpu.memory_space<vmem>>[vector<16xi32>], vector<16xf32>,
      %parallel_loop3A_479 = arith.addf %parallel_loop3A_474, %parallel_loop3A_478 : vector<16xf32>
      tpu.vector_store_idx %arg12[%parallel_loop3A_80, %broadcast_in_dim3A_49], %parallel_loop3A_479 : memref<512x1xf32, #tpu.memory_space<vmem>>[vector<16xi32>, vector<16xi32>], vector<16xf32>,
      %parallel_loop3A_480 = arith.constant 4928 : i32
      %parallel_loop3A_481 = vector.broadcast %parallel_loop3A_480 : i32 to vector<16xi32>
      %parallel_loop3A_482 = arith.addi %parallel_loop3A_81, %parallel_loop3A_481 : vector<16xi32>
      %parallel_loop3A_483 = tpu.vector_load_idx %arg8[%parallel_loop3A_482] : memref<5376xf32, #tpu.memory_space<vmem>>[vector<16xi32>], vector<16xf32>,
      %parallel_loop3A_484 = arith.constant 4928 : i32
      %parallel_loop3A_485 = vector.broadcast %parallel_loop3A_484 : i32 to vector<16xi32>
      %parallel_loop3A_486 = arith.addi %parallel_loop3A_85, %parallel_loop3A_485 : vector<16xi32>
      %parallel_loop3A_487 = tpu.vector_load_idx %arg8[%parallel_loop3A_486] : memref<5376xf32, #tpu.memory_space<vmem>>[vector<16xi32>], vector<16xf32>,
      %parallel_loop3A_488 = arith.addf %parallel_loop3A_483, %parallel_loop3A_487 : vector<16xf32>
      %parallel_loop3A_489 = arith.constant 4928 : i32
      %parallel_loop3A_490 = vector.broadcast %parallel_loop3A_489 : i32 to vector<16xi32>
      %parallel_loop3A_491 = arith.addi %parallel_loop3A_89, %parallel_loop3A_490 : vector<16xi32>
      %parallel_loop3A_492 = tpu.vector_load_idx %arg8[%parallel_loop3A_491] : memref<5376xf32, #tpu.memory_space<vmem>>[vector<16xi32>], vector<16xf32>,
      %parallel_loop3A_493 = arith.addf %parallel_loop3A_488, %parallel_loop3A_492 : vector<16xf32>
      %parallel_loop3A_494 = arith.constant 4928 : i32
      %parallel_loop3A_495 = vector.broadcast %parallel_loop3A_494 : i32 to vector<16xi32>
      %parallel_loop3A_496 = arith.addi %parallel_loop3A_93, %parallel_loop3A_495 : vector<16xi32>
      %parallel_loop3A_497 = tpu.vector_load_idx %arg8[%parallel_loop3A_496] : memref<5376xf32, #tpu.memory_space<vmem>>[vector<16xi32>], vector<16xf32>,
      %parallel_loop3A_498 = arith.addf %parallel_loop3A_493, %parallel_loop3A_497 : vector<16xf32>
      %parallel_loop3A_499 = arith.constant 4928 : i32
      %parallel_loop3A_500 = vector.broadcast %parallel_loop3A_499 : i32 to vector<16xi32>
      %parallel_loop3A_501 = arith.addi %parallel_loop3A_97, %parallel_loop3A_500 : vector<16xi32>
      %parallel_loop3A_502 = tpu.vector_load_idx %arg8[%parallel_loop3A_501] : memref<5376xf32, #tpu.memory_space<vmem>>[vector<16xi32>], vector<16xf32>,
      %parallel_loop3A_503 = arith.addf %parallel_loop3A_498, %parallel_loop3A_502 : vector<16xf32>
      %parallel_loop3A_504 = arith.constant 4928 : i32
      %parallel_loop3A_505 = vector.broadcast %parallel_loop3A_504 : i32 to vector<16xi32>
      %parallel_loop3A_506 = arith.addi %parallel_loop3A_101, %parallel_loop3A_505 : vector<16xi32>
      %parallel_loop3A_507 = tpu.vector_load_idx %arg8[%parallel_loop3A_506] : memref<5376xf32, #tpu.memory_space<vmem>>[vector<16xi32>], vector<16xf32>,
      %parallel_loop3A_508 = arith.addf %parallel_loop3A_503, %parallel_loop3A_507 : vector<16xf32>
      %parallel_loop3A_509 = arith.constant 4928 : i32
      %parallel_loop3A_510 = vector.broadcast %parallel_loop3A_509 : i32 to vector<16xi32>
      %parallel_loop3A_511 = arith.addi %parallel_loop3A_105, %parallel_loop3A_510 : vector<16xi32>
      %parallel_loop3A_512 = tpu.vector_load_idx %arg8[%parallel_loop3A_511] : memref<5376xf32, #tpu.memory_space<vmem>>[vector<16xi32>], vector<16xf32>,
      %parallel_loop3A_513 = arith.addf %parallel_loop3A_508, %parallel_loop3A_512 : vector<16xf32>
      tpu.vector_store_idx %arg13[%parallel_loop3A_80, %broadcast_in_dim3A_49], %parallel_loop3A_513 : memref<512x1xf32, #tpu.memory_space<vmem>>[vector<16xi32>, vector<16xi32>], vector<16xf32>,
    } {sc.loop_unroll_factor = 4 : i64, sc.parallel_access}
    %dma_start3A_52 = arith.constant 0 : i32
    %dma_start3A_53 = tpu.memref_slice %arg5[%mul3A_2, %dma_start3A_52] : memref<16384x10xf32, #tpu.memory_space<hbm>> -> memref<512x10xf32, #tpu.memory_space<hbm>>
    %dma_start3A_54 = arith.constant 0 : i32
    %dma_start3A_55 = tpu.memref_slice %arg5[%mul3A_2, %dma_start3A_54] : memref<16384x10xf32, #tpu.memory_space<hbm>> -> memref<512x10xf32, #tpu.memory_space<hbm>>
    tpu.enqueue_dma source(%arg11 : memref<512x10xf32, #tpu.memory_space<vmem>>) target(%dma_start3A_55 : memref<512x10xf32, #tpu.memory_space<hbm>>) target_semaphore(%arg14 : memref<!tpu.dma_semaphore, #tpu.memory_space<semaphore_mem>>)
    %dma_start3A_56 = arith.constant 0 : i32
    %dma_start3A_57 = tpu.memref_slice %arg6[%mul3A_2, %dma_start3A_56] : memref<16384x1xf32, #tpu.memory_space<hbm>> -> memref<512x1xf32, #tpu.memory_space<hbm>>
    %dma_start3A_58 = arith.constant 0 : i32
    %dma_start3A_59 = tpu.memref_slice %arg6[%mul3A_2, %dma_start3A_58] : memref<16384x1xf32, #tpu.memory_space<hbm>> -> memref<512x1xf32, #tpu.memory_space<hbm>>
    tpu.enqueue_dma source(%arg12 : memref<512x1xf32, #tpu.memory_space<vmem>>) target(%dma_start3A_59 : memref<512x1xf32, #tpu.memory_space<hbm>>) target_semaphore(%arg14 : memref<!tpu.dma_semaphore, #tpu.memory_space<semaphore_mem>>)
    %dma_start3A_60 = arith.constant 0 : i32
    %dma_start3A_61 = tpu.memref_slice %arg7[%mul3A_2, %dma_start3A_60] : memref<16384x1xf32, #tpu.memory_space<hbm>> -> memref<512x1xf32, #tpu.memory_space<hbm>>
    %dma_start3A_62 = arith.constant 0 : i32
    %dma_start3A_63 = tpu.memref_slice %arg7[%mul3A_2, %dma_start3A_62] : memref<16384x1xf32, #tpu.memory_space<hbm>> -> memref<512x1xf32, #tpu.memory_space<hbm>>
    tpu.enqueue_dma source(%arg13 : memref<512x1xf32, #tpu.memory_space<vmem>>) target(%dma_start3A_63 : memref<512x1xf32, #tpu.memory_space<hbm>>) target_semaphore(%arg14 : memref<!tpu.dma_semaphore, #tpu.memory_space<semaphore_mem>>)
    %dma_wait3A_64 = arith.constant 0 : i32
    %dma_wait3A_65 = tpu.memref_slice %arg5[%mul3A_2, %dma_wait3A_64] : memref<16384x10xf32, #tpu.memory_space<hbm>> -> memref<512x10xf32, #tpu.memory_space<hbm>>
    %dma_wait3A_66 = arith.constant 0 : i32
    %dma_wait3A_67 = tpu.memref_slice %arg5[%mul3A_2, %dma_wait3A_66] : memref<16384x10xf32, #tpu.memory_space<hbm>> -> memref<512x10xf32, #tpu.memory_space<hbm>>
    tpu.wait_dma2 semaphore(%arg14 : memref<!tpu.dma_semaphore, #tpu.memory_space<semaphore_mem>>) src(%arg11 : memref<512x10xf32, #tpu.memory_space<vmem>>) dst(%dma_wait3A_67 : memref<512x10xf32, #tpu.memory_space<hbm>>)
    %dma_wait3A_68 = arith.constant 0 : i32
    %dma_wait3A_69 = tpu.memref_slice %arg6[%mul3A_2, %dma_wait3A_68] : memref<16384x1xf32, #tpu.memory_space<hbm>> -> memref<512x1xf32, #tpu.memory_space<hbm>>
    %dma_wait3A_70 = arith.constant 0 : i32
    %dma_wait3A_71 = tpu.memref_slice %arg6[%mul3A_2, %dma_wait3A_70] : memref<16384x1xf32, #tpu.memory_space<hbm>> -> memref<512x1xf32, #tpu.memory_space<hbm>>
    tpu.wait_dma2 semaphore(%arg14 : memref<!tpu.dma_semaphore, #tpu.memory_space<semaphore_mem>>) src(%arg12 : memref<512x1xf32, #tpu.memory_space<vmem>>) dst(%dma_wait3A_71 : memref<512x1xf32, #tpu.memory_space<hbm>>)
    %dma_wait3A_72 = arith.constant 0 : i32
    %dma_wait3A_73 = tpu.memref_slice %arg7[%mul3A_2, %dma_wait3A_72] : memref<16384x1xf32, #tpu.memory_space<hbm>> -> memref<512x1xf32, #tpu.memory_space<hbm>>
    %dma_wait3A_74 = arith.constant 0 : i32
    %dma_wait3A_75 = tpu.memref_slice %arg7[%mul3A_2, %dma_wait3A_74] : memref<16384x1xf32, #tpu.memory_space<hbm>> -> memref<512x1xf32, #tpu.memory_space<hbm>>
    tpu.wait_dma2 semaphore(%arg14 : memref<!tpu.dma_semaphore, #tpu.memory_space<semaphore_mem>>) src(%arg13 : memref<512x1xf32, #tpu.memory_space<vmem>>) dst(%dma_wait3A_75 : memref<512x1xf32, #tpu.memory_space<hbm>>)
    return
  }
}

module attributes {stable_mosaic.version = 14 : i64} {
  func.func @_fold_body(%arg0: memref<52x16xf32, #tpu.memory_space<vmem>>, %arg1: memref<1024x112xf32, #tpu.memory_space<vmem>>, %arg2: memref<10x1024xf32, #tpu.memory_space<vmem>>, %arg3: memref<1024x112xf32, #tpu.memory_space<vmem>>, %arg4: memref<1x1024xf32, #tpu.memory_space<vmem>>, %arg5: memref<1024x112xf32, #tpu.memory_space<vmem>>, %arg6: memref<1x1024xf32, #tpu.memory_space<vmem>>, %arg7: memref<1x1024xf32, #tpu.memory_space<vmem>>, %arg8: memref<1x1024xf32, #tpu.memory_space<vmem>>, %arg9: memref<1x1024xf32, #tpu.memory_space<vmem>>, %arg10: memref<16x1xf32, #tpu.memory_space<vmem>>, %arg11: memref<16x448xf32, #tpu.memory_space<vmem>>) attributes {dimension_semantics = [], scalar_prefetch = 0 : i64, scratch_operands = 0 : i64, tpu.core_type = #tpu.core_type<tc>} {
    %iota3A = tpu.iota {dimensions = array<i32: 0>} : vector<16x10xi32>
    %iota3A_0 = tpu.iota {dimensions = array<i32: 1>} : vector<16x10xi32>
    %eq3A = arith.cmpi eq, %iota3A, %iota3A_0 : vector<16x10xi32>
    %convert_element_type3A = arith.extui %eq3A : vector<16x10xi1> to vector<16x10xi32>
    %convert_element_type3A_1 = arith.sitofp %convert_element_type3A : vector<16x10xi32> to vector<16x10xf32>
    %iota3A_2 = tpu.iota {dimensions = array<i32: 0>} : vector<16x1024xi32>
    %get3A = arith.constant 0 : index
    %get3A_3 = arith.constant 0 : index
    %get3A_4 = vector.load %arg2[%get3A, %get3A_3] : memref<10x1024xf32, #tpu.memory_space<vmem>>, vector<10x1024xf32>
    %dot_general3A = arith.constant dense<0.000000e+00> : vector<16x1024xf32>
    %dot_general3A_5 = tpu.matmul %convert_element_type3A_1, %get3A_4, %dot_general3A {dimension_numbers = #tpu.dot_dimension_numbers<[1], [0], [0], [1], [0, 0, 1, 1], [], []>, precision = #tpu.contract_precision<fp32>, transpose_lhs_hint = false} : vector<16x10xf32>, vector<10x1024xf32>, vector<16x1024xf32> -> vector<16x1024xf32>
    %eq3A_6 = arith.constant 10 : i32
    %eq3A_7 = vector.broadcast %eq3A_6 : i32 to vector<16x1024xi32>
    %eq3A_8 = arith.cmpi eq, %iota3A_2, %eq3A_7 : vector<16x1024xi32>
    %get3A_9 = arith.constant 0 : index
    %get3A_10 = arith.constant 0 : index
    %get3A_11 = vector.load %arg4[%get3A_9, %get3A_10] : memref<1x1024xf32, #tpu.memory_space<vmem>>, vector<1x1024xf32>
    %broadcast_in_dim3A = vector.shape_cast %get3A_11 : vector<1x1024xf32> to vector<1x1024xf32>
    %broadcast_in_dim3A_12 = vector.broadcast %broadcast_in_dim3A : vector<1x1024xf32> to vector<16x1024xf32>
    %jit3A = arith.constant 0.000000e+00 : f32
    %broadcast_in_dim3A_13 = vector.broadcast %jit3A : f32 to vector<16x1024xf32>
    %select_n3A = arith.select %eq3A_8, %broadcast_in_dim3A_12, %broadcast_in_dim3A_13 : vector<16x1024xi1>, vector<16x1024xf32>
    %eq3A_14 = arith.constant 11 : i32
    %eq3A_15 = vector.broadcast %eq3A_14 : i32 to vector<16x1024xi32>
    %eq3A_16 = arith.cmpi eq, %iota3A_2, %eq3A_15 : vector<16x1024xi32>
    %get3A_17 = arith.constant 0 : index
    %get3A_18 = arith.constant 0 : index
    %get3A_19 = vector.load %arg6[%get3A_17, %get3A_18] : memref<1x1024xf32, #tpu.memory_space<vmem>>, vector<1x1024xf32>
    %broadcast_in_dim3A_20 = vector.shape_cast %get3A_19 : vector<1x1024xf32> to vector<1x1024xf32>
    %broadcast_in_dim3A_21 = vector.broadcast %broadcast_in_dim3A_20 : vector<1x1024xf32> to vector<16x1024xf32>
    %jit3A_22 = arith.constant 0.000000e+00 : f32
    %broadcast_in_dim3A_23 = vector.broadcast %jit3A_22 : f32 to vector<16x1024xf32>
    %select_n3A_24 = arith.select %eq3A_16, %broadcast_in_dim3A_21, %broadcast_in_dim3A_23 : vector<16x1024xi1>, vector<16x1024xf32>
    %get3A_25 = arith.constant 0 : index
    %get3A_26 = arith.constant 0 : index
    %get3A_27 = vector.load %arg1[%get3A_25, %get3A_26] : memref<1024x112xf32, #tpu.memory_space<vmem>>, vector<1024x112xf32>
    %dot_general3A_28 = arith.constant dense<0.000000e+00> : vector<16x112xf32>
    %dot_general3A_29 = tpu.matmul %dot_general3A_5, %get3A_27, %dot_general3A_28 {dimension_numbers = #tpu.dot_dimension_numbers<[1], [0], [0], [1], [0, 0, 1, 1], [], []>, precision = #tpu.contract_precision<fp32>, transpose_lhs_hint = false} : vector<16x1024xf32>, vector<1024x112xf32>, vector<16x112xf32> -> vector<16x112xf32>
    %get3A_30 = arith.constant 0 : index
    %get3A_31 = arith.constant 0 : index
    %get3A_32 = vector.load %arg3[%get3A_30, %get3A_31] : memref<1024x112xf32, #tpu.memory_space<vmem>>, vector<1024x112xf32>
    %dot_general3A_33 = arith.constant dense<0.000000e+00> : vector<16x112xf32>
    %dot_general3A_34 = tpu.matmul %select_n3A, %get3A_32, %dot_general3A_33 {dimension_numbers = #tpu.dot_dimension_numbers<[1], [0], [0], [1], [0, 0, 1, 1], [], []>, precision = #tpu.contract_precision<fp32>, transpose_lhs_hint = false} : vector<16x1024xf32>, vector<1024x112xf32>, vector<16x112xf32> -> vector<16x112xf32>
    %add3A = arith.addf %dot_general3A_29, %dot_general3A_34 : vector<16x112xf32>
    %get3A_35 = arith.constant 0 : index
    %get3A_36 = arith.constant 0 : index
    %get3A_37 = vector.load %arg5[%get3A_35, %get3A_36] : memref<1024x112xf32, #tpu.memory_space<vmem>>, vector<1024x112xf32>
    %dot_general3A_38 = arith.constant dense<0.000000e+00> : vector<16x112xf32>
    %dot_general3A_39 = tpu.matmul %select_n3A_24, %get3A_37, %dot_general3A_38 {dimension_numbers = #tpu.dot_dimension_numbers<[1], [0], [0], [1], [0, 0, 1, 1], [], []>, precision = #tpu.contract_precision<fp32>, transpose_lhs_hint = false} : vector<16x1024xf32>, vector<1024x112xf32>, vector<16x112xf32> -> vector<16x112xf32>
    %add3A_40 = arith.addf %add3A, %dot_general3A_39 : vector<16x112xf32>
    %get3A_41 = arith.constant 0 : index
    %get3A_42 = arith.constant 0 : index
    %get3A_43 = vector.load %arg10[%get3A_41, %get3A_42] : memref<16x1xf32, #tpu.memory_space<vmem>>, vector<16x1xf32>
    %get3A_44 = arith.constant 0 : index
    %get3A_45 = arith.constant 0 : index
    %get3A_46 = vector.load %arg7[%get3A_44, %get3A_45] : memref<1x1024xf32, #tpu.memory_space<vmem>>, vector<1x1024xf32>
    %dot_general3A_47 = arith.constant dense<0.000000e+00> : vector<16x1xf32>
    %dot_general3A_48 = tpu.matmul %dot_general3A_5, %get3A_46, %dot_general3A_47 {dimension_numbers = #tpu.dot_dimension_numbers<[1], [1], [0], [0], [0, 0, 1, 0], [], []>, precision = #tpu.contract_precision<fp32>, transpose_lhs_hint = false} : vector<16x1024xf32>, vector<1x1024xf32>, vector<16x1xf32> -> vector<16x1xf32>
    %add3A_49 = arith.addf %get3A_43, %dot_general3A_48 : vector<16x1xf32>
    %get3A_50 = arith.constant 0 : index
    %get3A_51 = arith.constant 0 : index
    %get3A_52 = vector.load %arg8[%get3A_50, %get3A_51] : memref<1x1024xf32, #tpu.memory_space<vmem>>, vector<1x1024xf32>
    %dot_general3A_53 = arith.constant dense<0.000000e+00> : vector<16x1xf32>
    %dot_general3A_54 = tpu.matmul %select_n3A, %get3A_52, %dot_general3A_53 {dimension_numbers = #tpu.dot_dimension_numbers<[1], [1], [0], [0], [0, 0, 1, 0], [], []>, precision = #tpu.contract_precision<fp32>, transpose_lhs_hint = false} : vector<16x1024xf32>, vector<1x1024xf32>, vector<16x1xf32> -> vector<16x1xf32>
    %add3A_55 = arith.addf %add3A_49, %dot_general3A_54 : vector<16x1xf32>
    %get3A_56 = arith.constant 0 : index
    %get3A_57 = arith.constant 0 : index
    %get3A_58 = vector.load %arg9[%get3A_56, %get3A_57] : memref<1x1024xf32, #tpu.memory_space<vmem>>, vector<1x1024xf32>
    %dot_general3A_59 = arith.constant dense<0.000000e+00> : vector<16x1xf32>
    %dot_general3A_60 = tpu.matmul %select_n3A_24, %get3A_58, %dot_general3A_59 {dimension_numbers = #tpu.dot_dimension_numbers<[1], [1], [0], [0], [0, 0, 1, 0], [], []>, precision = #tpu.contract_precision<fp32>, transpose_lhs_hint = false} : vector<16x1024xf32>, vector<1x1024xf32>, vector<16x1xf32> -> vector<16x1xf32>
    %add3A_61 = arith.addf %add3A_55, %dot_general3A_60 : vector<16x1xf32>
    %get3A_62 = arith.constant 0 : index
    %get3A_63 = arith.constant 0 : index
    %get3A_64 = vector.load %arg0[%get3A_62, %get3A_63] : memref<52x16xf32, #tpu.memory_space<vmem>>, vector<52x16xf32>
    %slice3A = vector.extract_strided_slice %add3A_40 {offsets = [0, 0], sizes = [16, 16], strides = [1, 1]} : vector<16x112xf32> to vector<16x16xf32>
    %dot_general3A_65 = arith.constant dense<0.000000e+00> : vector<16x52xf32>
    %dot_general3A_66 = tpu.matmul %slice3A, %get3A_64, %dot_general3A_65 {dimension_numbers = #tpu.dot_dimension_numbers<[1], [1], [0], [0], [0, 0, 1, 0], [], []>, precision = #tpu.contract_precision<fp32>, transpose_lhs_hint = false} : vector<16x16xf32>, vector<52x16xf32>, vector<16x52xf32> -> vector<16x52xf32>
    %add3A_67 = vector.broadcast %add3A_61 : vector<16x1xf32> to vector<16x52xf32>
    %add3A_68 = arith.addf %dot_general3A_66, %add3A_67 : vector<16x52xf32>
    %swap3A = arith.constant 0 : index
    %swap3A_69 = arith.constant 0 : index
    %swap3A_70 = vector.load %arg11[%swap3A, %swap3A_69] : memref<16x448xf32, #tpu.memory_space<vmem>>, vector<16x52xf32>
    tpu.vector_store %arg11[%swap3A, %swap3A_69], %add3A_68 {strides = array<i32>} : memref<16x448xf32, #tpu.memory_space<vmem>>, vector<16x52xf32>,
    %slice3A_71 = vector.extract_strided_slice %add3A_40 {offsets = [0, 16], sizes = [16, 16], strides = [1, 1]} : vector<16x112xf32> to vector<16x16xf32>
    %dot_general3A_72 = arith.constant dense<0.000000e+00> : vector<16x52xf32>
    %dot_general3A_73 = tpu.matmul %slice3A_71, %get3A_64, %dot_general3A_72 {dimension_numbers = #tpu.dot_dimension_numbers<[1], [1], [0], [0], [0, 0, 1, 0], [], []>, precision = #tpu.contract_precision<fp32>, transpose_lhs_hint = false} : vector<16x16xf32>, vector<52x16xf32>, vector<16x52xf32> -> vector<16x52xf32>
    %swap3A_74 = arith.constant 0 : index
    %swap3A_75 = arith.constant 56 : index
    %swap3A_76 = vector.load %arg11[%swap3A_74, %swap3A_75] : memref<16x448xf32, #tpu.memory_space<vmem>>, vector<16x52xf32>
    tpu.vector_store %arg11[%swap3A_74, %swap3A_75], %dot_general3A_73 {strides = array<i32>} : memref<16x448xf32, #tpu.memory_space<vmem>>, vector<16x52xf32>,
    %slice3A_77 = vector.extract_strided_slice %add3A_40 {offsets = [0, 32], sizes = [16, 16], strides = [1, 1]} : vector<16x112xf32> to vector<16x16xf32>
    %dot_general3A_78 = arith.constant dense<0.000000e+00> : vector<16x52xf32>
    %dot_general3A_79 = tpu.matmul %slice3A_77, %get3A_64, %dot_general3A_78 {dimension_numbers = #tpu.dot_dimension_numbers<[1], [1], [0], [0], [0, 0, 1, 0], [], []>, precision = #tpu.contract_precision<fp32>, transpose_lhs_hint = false} : vector<16x16xf32>, vector<52x16xf32>, vector<16x52xf32> -> vector<16x52xf32>
    %swap3A_80 = arith.constant 0 : index
    %swap3A_81 = arith.constant 112 : index
    %swap3A_82 = vector.load %arg11[%swap3A_80, %swap3A_81] : memref<16x448xf32, #tpu.memory_space<vmem>>, vector<16x52xf32>
    tpu.vector_store %arg11[%swap3A_80, %swap3A_81], %dot_general3A_79 {strides = array<i32>} : memref<16x448xf32, #tpu.memory_space<vmem>>, vector<16x52xf32>,
    %slice3A_83 = vector.extract_strided_slice %add3A_40 {offsets = [0, 48], sizes = [16, 16], strides = [1, 1]} : vector<16x112xf32> to vector<16x16xf32>
    %dot_general3A_84 = arith.constant dense<0.000000e+00> : vector<16x52xf32>
    %dot_general3A_85 = tpu.matmul %slice3A_83, %get3A_64, %dot_general3A_84 {dimension_numbers = #tpu.dot_dimension_numbers<[1], [1], [0], [0], [0, 0, 1, 0], [], []>, precision = #tpu.contract_precision<fp32>, transpose_lhs_hint = false} : vector<16x16xf32>, vector<52x16xf32>, vector<16x52xf32> -> vector<16x52xf32>
    %swap3A_86 = arith.constant 0 : index
    %swap3A_87 = arith.constant 168 : index
    %swap3A_88 = vector.load %arg11[%swap3A_86, %swap3A_87] : memref<16x448xf32, #tpu.memory_space<vmem>>, vector<16x52xf32>
    tpu.vector_store %arg11[%swap3A_86, %swap3A_87], %dot_general3A_85 {strides = array<i32>} : memref<16x448xf32, #tpu.memory_space<vmem>>, vector<16x52xf32>,
    %slice3A_89 = vector.extract_strided_slice %add3A_40 {offsets = [0, 64], sizes = [16, 16], strides = [1, 1]} : vector<16x112xf32> to vector<16x16xf32>
    %dot_general3A_90 = arith.constant dense<0.000000e+00> : vector<16x52xf32>
    %dot_general3A_91 = tpu.matmul %slice3A_89, %get3A_64, %dot_general3A_90 {dimension_numbers = #tpu.dot_dimension_numbers<[1], [1], [0], [0], [0, 0, 1, 0], [], []>, precision = #tpu.contract_precision<fp32>, transpose_lhs_hint = false} : vector<16x16xf32>, vector<52x16xf32>, vector<16x52xf32> -> vector<16x52xf32>
    %swap3A_92 = arith.constant 0 : index
    %swap3A_93 = arith.constant 224 : index
    %swap3A_94 = vector.load %arg11[%swap3A_92, %swap3A_93] : memref<16x448xf32, #tpu.memory_space<vmem>>, vector<16x52xf32>
    tpu.vector_store %arg11[%swap3A_92, %swap3A_93], %dot_general3A_91 {strides = array<i32>} : memref<16x448xf32, #tpu.memory_space<vmem>>, vector<16x52xf32>,
    %slice3A_95 = vector.extract_strided_slice %add3A_40 {offsets = [0, 80], sizes = [16, 16], strides = [1, 1]} : vector<16x112xf32> to vector<16x16xf32>
    %dot_general3A_96 = arith.constant dense<0.000000e+00> : vector<16x52xf32>
    %dot_general3A_97 = tpu.matmul %slice3A_95, %get3A_64, %dot_general3A_96 {dimension_numbers = #tpu.dot_dimension_numbers<[1], [1], [0], [0], [0, 0, 1, 0], [], []>, precision = #tpu.contract_precision<fp32>, transpose_lhs_hint = false} : vector<16x16xf32>, vector<52x16xf32>, vector<16x52xf32> -> vector<16x52xf32>
    %swap3A_98 = arith.constant 0 : index
    %swap3A_99 = arith.constant 280 : index
    %swap3A_100 = vector.load %arg11[%swap3A_98, %swap3A_99] : memref<16x448xf32, #tpu.memory_space<vmem>>, vector<16x52xf32>
    tpu.vector_store %arg11[%swap3A_98, %swap3A_99], %dot_general3A_97 {strides = array<i32>} : memref<16x448xf32, #tpu.memory_space<vmem>>, vector<16x52xf32>,
    %slice3A_101 = vector.extract_strided_slice %add3A_40 {offsets = [0, 96], sizes = [16, 16], strides = [1, 1]} : vector<16x112xf32> to vector<16x16xf32>
    %dot_general3A_102 = arith.constant dense<0.000000e+00> : vector<16x52xf32>
    %dot_general3A_103 = tpu.matmul %slice3A_101, %get3A_64, %dot_general3A_102 {dimension_numbers = #tpu.dot_dimension_numbers<[1], [1], [0], [0], [0, 0, 1, 0], [], []>, precision = #tpu.contract_precision<fp32>, transpose_lhs_hint = false} : vector<16x16xf32>, vector<52x16xf32>, vector<16x52xf32> -> vector<16x52xf32>
    %swap3A_104 = arith.constant 0 : index
    %swap3A_105 = arith.constant 336 : index
    %swap3A_106 = vector.load %arg11[%swap3A_104, %swap3A_105] : memref<16x448xf32, #tpu.memory_space<vmem>>, vector<16x52xf32>
    tpu.vector_store %arg11[%swap3A_104, %swap3A_105], %dot_general3A_103 {strides = array<i32>} : memref<16x448xf32, #tpu.memory_space<vmem>>, vector<16x52xf32>,
    return
  }
}

</mosaic_0001>

<sc_bundles>
// kernel: kernel.4.cloned.1.call-start
scs
__scs_entry_jumppad:
0x0: {  	(pc) =	sbr.rel $0x88, $3  }
0x1: {  	(tag) =	ssettag $0x0;
	lr =	simm.s32 $0x1  }
0x2: {  	[smem:$0x3F92] =	sst lr;
	_ =	strace $0xD0000000  }
0x3: {  	_ = 	snop  }
0x4: {  	_ = 	snop  }
0x5: {  	_ = 	snop  }
0x6: {  	_ = 	snop  }
0x7: {  	_ = 	snop  }
__scs_overlays_trampoline_lowered:
0x8: {  	[smem:$0x3FA1] =	sst s0  }
0x9: {  	[smem:$0x3FA2] =	sst s1  }
0xa: {  	[smem:$0x3FA3] =	sst s2  }
0xb: {  	[smem:$0x3FA4] =	sst s3  }
0xc: {  	[smem:$0x3FA5] =	sst s4  }
0xd: {  	[smem:$0x3FA6] =	sst s5  }
0xe: {  	[smem:$0x3FA7] =	sst s6  }
0xf: {  	[smem:$0x3FA8] =	sst s7  }
0x10: {  	[smem:$0x3FA9] =	sst s8  }
0x11: {  	[smem:$0x3FAA] =	sst s9;
	s0 =	simm.s32 @!p0 $0x0  }
0x12: {  	s1 =	sld [smem:$0x3F90];
	s0 =	simm.s32 @p0 $0x1  }
0x13: {  	[smem:$0x3FAB] =	sst s0;
	s0 =	simm.s32 @!p1 $0x0  }
0x14: {  	s2 =	sld [smem:$0x3F8F];
	s0 =	simm.s32 @p1 $0x1  }
0x15: {  	[smem:$0x3FAC] =	sst s0;
	s0 =	simm.s32 @!p2 $0x0  }
0x16: {  	s3 =	sld [smem:$0x3FDB];
	s0 =	simm.s32 @p2 $0x1  }
0x17: {  	s4 =	simm.s32 $0x1BF5;
	[smem:$0x3FAE] =	sst s0  }
0x18: {  	s0 =	sld [smem:$0x3F91];
	_ =	swait.ge [sflag:s4], $0x0  }
0x19: {  	s7 =	sld [smem:$0x3F92]  }
0x1a: {  	s8 =	sadd.s32 $0xFFFFE003, lr  }
0x1b: {  	s9 =	sadd.s32 $0xFFFFFEF7, lr;
	s5 =	simm.s32 $0xFFFFFFFF;
	p2 =	slt.u32 s8, $0xFFFFF086  }
0x1c: {  	p1 =	slt.u32 s9, $0xF7A;
	s5 =	simm.s32 @!p2 $0x0  }
0x1d: {  	s5 =	simm.s32 @p1 $0x1;
	p0 =	seq.s32 s7, s2  }
0x1e: {  	s7 =	smul.u32 @!p0 $0xF7A, s2;
	p2 =	seq.s32 @!p0 s5, $0x0  }
0x1f: {  	s9 =	smul.u32 $0xF7A, s1;
	s8 =	simm.s32 @!p0 $0x1BF5;
	p2 =	por !p2, p0  }
0x20: {  	[sflag:s8] =	ssyncset.s32 @!p0 $0xFFFFF086;
	s6 =	sadd.s32 @!p0 s3, s7;
	s7 =	simm.s32 @!p0 $0x108  }
0x21: {  	s3 =	sadd.s32 s3, s9;
	s6 =	sadd.s32 @!p0 $0x88, s6;
	s7 =	simm.s32 @p2 $0x1082  }
0x22: {  	[simem:s7], [sflag:s8] =	dma.local @!p0 [hbm:s6], $0xF7A  }
0x23: {  	s9 =	sor.u32 $0xD0000000, s2;
	s6 =	simm.s32 $0x108;
	_ =	swait.ge @!p0 [sflag:s8], $0x0  }
0x24: {  	s3 =	sadd.s32 $0x88, s3;
	s6 =	simm.s32 @!p1 $0x1082;
	[sflag:s4] =	ssyncset.s32 $0xFFFFF086  }
0x25: {  	[simem:s6], [sflag:s4] =	dma.local [hbm:s3], $0xF7A  }
0x26: {  	[smem:$0x3F92] =	sst s1;
	(tag) =	ssettag s2;
	_ =	strace s9  }
0x27: {  	s1 =	sld [smem:$0x3FA2]  }
0x28: {  	s2 =	sld [smem:$0x3FA3]  }
0x29: {  	s4 =	sld [smem:$0x3FA5]  }
0x2a: {  	p0 =	seq.s32 s5, $0x0;
	s5 =	sld [smem:$0x3FA6]  }
0x2b: {  	s6 =	sld [smem:$0x3FA7]  }
0x2c: {  	s7 =	sld [smem:$0x3FA8]  }
0x2d: {  	s3 =	simm.s32 $0x108;
	s8 =	sld [smem:$0x3FA9]  }
0x2e: {  	s3 =	simm.s32 @!p0 $0x1082;
	s9 =	sld [smem:$0x3FAA]  }
0x2f: {  	lr =	sadd.s32 s0, s3;
	s0 =	sld [smem:$0x3FA1]  }
0x30: {  	s3 =	sld [smem:$0x3FA4]  }
0x31: {  	[smem:$0x3FAD] =	sst s10  }
0x32: {  	s10 =	sld [smem:$0x3FAB];
	_ =	sdelay $0x3  }
0x33: {  	p0 =	seq.s32 s10, $0x1;
	s10 =	sld [smem:$0x3FAD];
	_ =	sdelay $0x3  }
0x34: {  	[smem:$0x3FAD] =	sst s10  }
0x35: {  	s10 =	sld [smem:$0x3FAC];
	_ =	sdelay $0x3  }
0x36: {  	p1 =	seq.s32 s10, $0x1;
	s10 =	sld [smem:$0x3FAD];
	_ =	sdelay $0x3  }
0x37: {  	[smem:$0x3FAD] =	sst s10  }
0x38: {  	s10 =	sld [smem:$0x3FAE]  }
0x39: {  	_ = 	snop;
	(pc) =	sbr.ind lr, $3  }
0x3a: {  	_ = 	snop  }
0x3b: {  	_ = 	snop  }
0x3c: {  	p2 =	seq.s32 s10, $0x1;
	s10 =	sld [smem:$0x3FAD]  }
0x3d: {  	_ =	shalt  }
0x3e: {  	_ =	shalt  }
0x3f: {  	_ =	shalt  }
0x40: {  	_ =	shalt  }
0x41: {  	_ =	shalt  }
0x42: {  	_ =	shalt  }
0x43: {  	_ =	shalt  }
0x44: {  	_ =	shalt  }
0x45: {  	_ =	shalt  }
0x46: {  	_ =	shalt  }
0x47: {  	_ =	shalt  }
0x48: {  	_ =	shalt  }
0x49: {  	_ =	shalt  }
0x4a: {  	_ =	shalt  }
0x4b: {  	_ =	shalt  }
0x4c: {  	_ =	shalt  }
0x4d: {  	_ =	shalt  }
0x4e: {  	_ =	shalt  }
0x4f: {  	_ =	shalt  }
0x50: {  	_ =	shalt  }
0x51: {  	_ =	shalt  }
0x52: {  	_ =	shalt  }
0x53: {  	_ =	shalt  }
0x54: {  	_ =	shalt  }
0x55: {  	_ =	shalt  }
0x56: {  	_ =	shalt  }
0x57: {  	_ =	shalt  }
0x58: {  	_ =	shalt  }
0x59: {  	_ =	shalt  }
0x5a: {  	_ =	shalt  }
0x5b: {  	_ =	shalt  }
0x5c: {  	_ =	shalt  }
0x5d: {  	_ =	shalt  }
0x5e: {  	_ =	shalt  }
0x5f: {  	_ =	shalt  }
0x60: {  	_ =	shalt  }
0x61: {  	_ =	shalt  }
0x62: {  	_ =	shalt  }
0x63: {  	_ =	shalt  }
0x64: {  	_ =	shalt  }
0x65: {  	_ =	shalt  }
0x66: {  	_ =	shalt  }
0x67: {  	_ =	shalt  }
0x68: {  	_ =	shalt  }
0x69: {  	_ =	shalt  }
0x6a: {  	_ =	shalt  }
0x6b: {  	_ =	shalt  }
0x6c: {  	_ =	shalt  }
0x6d: {  	_ =	shalt  }
0x6e: {  	_ =	shalt  }
0x6f: {  	_ =	shalt  }
0x70: {  	_ =	shalt  }
0x71: {  	_ =	shalt  }
0x72: {  	_ =	shalt  }
0x73: {  	_ =	shalt  }
0x74: {  	_ =	shalt  }
0x75: {  	_ =	shalt  }
0x76: {  	_ =	shalt  }
0x77: {  	_ =	shalt  }
0x78: {  	_ =	shalt  }
0x79: {  	_ =	shalt  }
0x7a: {  	_ =	shalt  }
0x7b: {  	_ =	shalt  }
0x7c: {  	_ =	shalt  }
0x7d: {  	_ =	shalt  }
0x7e: {  	_ =	shalt  }
0x7f: {  	_ =	shalt  }
0x80: {  	_ =	shalt  }
0x81: {  	_ =	shalt  }
0x82: {  	_ =	shalt  }
0x83: {  	_ =	shalt  }
0x84: {  	_ =	shalt  }
0x85: {  	_ =	shalt  }
0x86: {  	_ =	shalt  }
0x87: {  	_ =	shalt  }
.Lfunc_end0:
.L_simem_size_0:
called_computation_lowered:
.L_overlay_start_0:
0x88: {  	s2 =	sld [smem:$0x3FD9]  }
0x89: {  	s3 =	sld [smem:$0x3FFE];
	_ =	sdelay $0x1  }
0x8a: {  	s1 =	srdreg.scid  }
0x8b: {  	s0 =	sand.u32 $0x1, s1  }
0x8c: {  	s14 =	sshll.u32 s0, $0xA;
	s2 =	sadd.s32 s3, s2  }
0x8d: {  	s2 =	sadd.s32 s2, s14  }
0x8e: {  	[smem:$0x3FB9] =	sst s2  }
0x8f: {  	_ = 	snop  }
0x90: {  	s2 =	sld [smem:$0x3FD0];
	_ =	sdelay $0x2  }
0x91: {  	s15 =	simm.s32 $0xA;
	s4 =	simm.s32 $0x10  }
0x92: {  	[smem:s4], [sflag:s15] =	dma.local [hbm:s2], $0x1  }
0x93: {  	_ =	swait.eq [sflag:s15], $0x1  }
0x94: {  	[sflag:s15] =	ssyncset.done $0x0  }
0x95: {  	s16 =	sld [smem:$0x10];
	[sflag:s15] =	ssyncadd.s32 $0xFFFFFFFF  }
0x96: {  	s17 =	sld [smem:$0x12];
	(tm) =	ssettm $0x1  }
0x97: {  	s18 =	sld [smem:$0x3FFB];
	_ =	sdelay $0x3  }
0x98: {  	_ =	strace s18  }
0x99: {  	s4 =	sld [smem:$0x3FFC];
	_ =	sdelay $0x3  }
0x9a: {  	_ =	strace s4  }
0x9b: {  	s4 =	sld [smem:$0x3FFD];
	_ =	sdelay $0x3  }
0x9c: {  	_ =	strace s4  }
0x9d: {  	_ =	strace $0x8FFFFFFF  }
0x9e: {  	s19 =	sld [smem:$0x3FDB];
	_ =	sdelay $0x1  }
0x9f: {  	s5 =	simm.s32 $_scs_section_size  }
0xa0: {  	s6 =	simm.s32 $_size__tile_overlayer_lowered;
	s7 =	simm.s32 $_tile_overlayer_lowered  }
0xa1: {  	s22 =	simm.s32 $0x1BFF;
	s21 =	sshll.u32 s7, $0x1;
	s4 =	sadd.s32 s5, s19  }
0xa2: {  	s8 =	simm.s32 $0x0;
	s20 =	sshll.u32 s6, $0x1;
	s6 =	sadd.s32 s21, s4  }
0xa3: {  	[timem:s8], [sflag:s22] =	dma.local [hbm:s6], s20  }
0xa4: {  	_ =	swait.ge [sflag:s22], s20  }
0xa5: {  	s5 =	ssub.s32 $0x0, s20;
	[sflag:s22] =	ssyncset.done $0x0  }
0xa6: {  	[sflag:s22] =	ssyncadd.s32 s5;
	_ =	sdelay $0x1  }
0xa7: {  	s23 =	simm.s32 $0x1B8B  }
0xa8: {  	_ =	swait.ge [sflag:s23], $0x1  }
0xa9: {  	[sflag:s23] =	ssyncset.done $0x0  }
0xaa: {  	s25 =	simm.s32 $0x1B8E;
	s24 =	sld [smem:$0x3FFE];
	[sflag:s23] =	ssyncadd.s32 $0xFFFFFFFF  }
0xab: {  	s26 =	simm.s32 $execute0_lowered;
	[smem:$0x3FD2] =	sst s25  }
0xac: {  	s6 =	sshll.u32 s26, $0x1;
	_ =	strace $0x80000046;
	[dreg:$0x1] =	wrdreg $0xFFFFFFFF  }
0xad: {  	s28 =	simm.s32 $_size_execute0_lowered;
	s4 =	sadd.s32 s4, s6;
	[dreg:$0x0] =	wrdreg $0x0  }
0xae: {  	s6 =	sshll.u32 s28, $0x1;
	[dreg:$0x2] =	wrdreg s4  }
0xaf: {  	[dreg:$0x3] =	wrdreg s6  }
0xb0: {  	[dreg:$0x4] =	wrdreg $0xC0  }
0xb1: {  	_ =	task [dreg:s8], $0x5FFFF  }
0xb2: {  	[dreg:$0x1] =	wrdreg $0xFFFFFFFF  }
0xb3: {  	[dreg:$0x0] =	wrdreg $0x60  }
0xb4: {  	[dreg:$0x2] =	wrdreg s17  }
0xb5: {  	[dreg:$0x3] =	wrdreg s24  }
0xb6: {  	[dreg:$0x4] =	wrdreg s16  }
0xb7: {  	[dreg:$0x5] =	wrdreg $0x9  }
0xb8: {  	_ =	task.clear_ibuf [dreg:s8], $0x6FFFF;
	_ =	strace $0x90000046  }
0xb9: {  	s29 =	simm.s32 $0x9;
	_ =	strace $0x80000048  }
0xba: {  	_ =	swait.ge [sflag:s29], $0x1  }
0xbb: {  	[sflag:s29] =	ssyncadd.s32 $0xFFFFFFFF  }
0xbc: {  	_ =	strace $0x90000048  }
0xbd: {  	_ =	sfence  }
0xbe: {  	s30 =	sld [smem:$0x0];
	_ =	sdelay $0x2  }
0xbf: {  	s31 =	sshll.u32 s1, $0xD;
	s1 =	sshrl.u32 s1, $0x2  }
0xc0: {  	s3 =	sand.u32 $0x4000, s31;
	s1 =	sadd.s32 s1, s30  }
0xc1: {  	s0 =	sor.u32 s3, s0;
	s1 =	sshll.u32 s1, $0x11  }
0xc2: {  	s0 =	sor.u32 s1, s0  }
0xc3: {  	s0 =	sadd.s32 $0x8F2B, s0  }
0xc4: {  	[sflag:s0] =	ssyncadd.remote.s32 $0x1  }
0xc5: {  	_ =	sfence.sel $0xFFFF  }
0xc6: {  	[dreg:$0x0] =	wrdreg $0xFFFFFFFF;
	(pc) =	sbr.abs _section_cstart, $3  }
0xc7: {  	[dreg:$0x1] =	wrdreg $0xFFFFFFFF  }
0xc8: {  	_ =	task.clear_ibuf [dreg:s8], $0x2FFFF;
	_ =	strace $0x9FFFFFFF  }
0xc9: {  	(tm) =	ssettm $0x7FFFFFFF  }
tec
execute0_lowered:
.L_overlay_start_1:
0x0: {  	(tag) =	ssettag $0x1  }
0x1: {  	s1 =	rddreg [dreg:$0x0]  }
0x2: {  	s4 =	rddreg [dreg:$0x1]  }
0x3: {  	s6 =	rddreg [dreg:$0x2];
	s3 =	srdreg.scid  }
0x4: {  	s0 =	rddreg [dreg:$0x3];
	s2 =	stileid.u32;
	s10 =	simm.s32 $0x1500  }
0x5: {  	s11 =	simm.s32 $0x2500;
	s12 =	simm.s32 $0x1;
	s13 =	simm.s32 $0x3500  }
0x6: {  	s14 =	simm.s32 $0x5500;
	s15 =	simm.s32 $0x6500;
	s16 =	simm.s32 $0x0  }
0x7: {  	s5 =	sand.u32 $0x1, s3;
	s3 =	simm.s32 $0x0;
	s7 =	sshll.u32 s2, $0xA  }
0x8: {  	s8 =	sshll.u32 s5, $0x9;
	[smem:$0x7FF] =	sst s3;
	s5 =	ssub.s32 $0x2, s5  }
0x9: {  	s7 =	sor.u32 s8, s7;
	_ =	strace $0x80000047;
	s31 =	sshrl.u32 s5, $0x1  }
0xa: {  	s8 =	sadd.s32 s7, s4;
	s9 =	ssub.s32 s5, s31;
	s7 =	sshll.u32 s7, $0x1  }
0xb: {  	s4 =	sadd.s32 $0x6400, s8;
	s5 =	sadd.s32 $0x2400, s8;
	s6 =	sadd.s32 s6, s7  }
0xc: {  	v0 =	vlaneseq.u32;
	s7 =	sadd.s32 $0xA400, s8;
	s8 =	sadd.s32 $0xE400, s8;
	s9 =	smax.u32 s9, $0x1  }
.LBB2_1:
0xd: {  	[tilespmem:s3], [sflag:$0x1] =	stream.linear.gather [hbm4b:s1+s3], $0x1500, $0x38;
	[tilespmem:$0x7500] =	vst v63  }
0xe: {  	_ = 	snop  }
0xf: {  	[tilespmem:s10], [sflag:$0x1] =	stream.linear.gather [hbm4b:s4+s3], $0x1000, $0x38;
	[tilespmem:$0x7500] =	vst v63  }
0x10: {  	_ = 	snop  }
0x11: {  	[tilespmem:s11], [sflag:$0x1] =	stream.linear.gather [hbm4b:s5+s3], $0x1000, $0x38;
	[tilespmem:$0x7500] =	vst v63  }
0x12: {  	_ =	swait.ge [sflag:s12], $0x1500  }
0x13: {  	[sflag:s12] =	ssyncset.done $0x0  }
0x14: {  	[sflag:s12] =	ssyncadd.s32 $0xFFFFEB00  }
0x15: {  	_ =	swait.ge [sflag:s12], $0x1000  }
0x16: {  	[sflag:s12] =	ssyncset.done $0x0  }
0x17: {  	[sflag:s12] =	ssyncadd.s32 $0xFFFFF000  }
0x18: {  	_ =	swait.ge [sflag:s12], $0x1000  }
0x19: {  	[sflag:s12] =	ssyncset.done $0x0  }
0x1a: {  	s17 =	simm.s32 $0xFFFFFFFC;
	s18 =	simm.s32 $0x30;
	[sflag:s12] =	ssyncadd.s32 $0xFFFFF000  }
.LBB2_2:
0x1b: {  	s19 =	sadd.s32 $0xFFFFFFD0, s18  }
0x1c: {  	v2 =	vor.u32 s19, v0  }
0x1d: {  	v1 =	vshll.u32 v2, $0x3  }
0x1e: {  	v3 =	vor.u32 $0x1, v1;
	_ =	sdelay $0x4  }
0x1f: {  	v15 =	vld.idx.msk [tilespmem:v3+s10+$0x0], $0xffff  }
0x20: {  	v4 =	vor.u32 $0x2, v1;
	v16 =	vld.idx.msk [tilespmem:v1+s10+$0x0], $0xffff  }
0x21: {  	v7 =	vor.u32 $0x3, v1;
	v14 =	vld.idx.msk [tilespmem:v1+s11+$0x0], $0xffff  }
0x22: {  	v8 =	vor.u32 $0x4, v1  }
0x23: {  	v6 =	vld.idx.msk [tilespmem:v3+s11+$0x0], $0xffff  }
0x24: {  	v9 =	vadd.s32 $0x38, v15  }
0x25: {  	v5 =	vld.idx.msk [tilespmem:v4+s11+$0x0], $0xffff  }
0x26: {  	v4 =	vld.idx.msk [tilespmem:v7+s11+$0x0], $0xffff;
	v10 =	vadd.s32 $0x70, v14  }
0x27: {  	v3 =	vld.idx.msk [tilespmem:v8+s11+$0x0], $0xffff  }
0x28: {  	v31 =	vadd.s32 $0xA8, v6;
	v32 =	vld.idx.msk [tilespmem:v16+s3+$0x0], $0xffff  }
0x29: {  	v9 =	vld.idx.msk [tilespmem:v9+s3+$0x0], $0xffff  }
0x2a: {  	v11 =	vadd.s32 $0xE0, v5  }
0x2b: {  	v10 =	vld.idx.msk [tilespmem:v10+s3+$0x0], $0xffff  }
0x2c: {  	v12 =	vadd.s32 $0x118, v4  }
0x2d: {  	v7 =	vld.idx.msk [tilespmem:v31+s3+$0x0], $0xffff  }
0x2e: {  	v13 =	vadd.s32 $0x150, v3;
	v8 =	vadd.f32 v9, v32  }
0x2f: {  	v33 =	vld.idx.msk [tilespmem:v11+s3+$0x0], $0xffff  }
0x30: {  	v8 =	vadd.f32 v10, v8  }
0x31: {  	v34 =	vld.idx.msk [tilespmem:v12+s3+$0x0], $0xffff  }
0x32: {  	v7 =	vadd.f32 v7, v8  }
0x33: {  	v35 =	vld.idx.msk [tilespmem:v13+s3+$0x0], $0xffff  }
0x34: {  	v7 =	vadd.f32 v33, v7  }
0x35: {  	v36 =	vshll.u32 v2, $0x4  }
0x36: {  	v38 =	vadd.s32 $0x1C0, v16;
	v2 =	vadd.f32 v34, v7  }
0x37: {  	v39 =	vadd.s32 $0x1F8, v15  }
0x38: {  	v2 =	vadd.f32 v35, v2  }
0x39: {  	v40 =	vadd.s32 $0x230, v14  }
0x3a: {  	[tilespmem:v36+s13+$0x0] =	vst.idx.msk $0xffff, v2  }
0x3b: {  	v41 =	vadd.s32 $0x268, v6;
	v2 =	vld.idx.msk [tilespmem:v38+s3+$0x0], $0xffff  }
0x3c: {  	v9 =	vld.idx.msk [tilespmem:v39+s3+$0x0], $0xffff  }
0x3d: {  	v42 =	vadd.s32 $0x2A0, v5  }
0x3e: {  	v8 =	vld.idx.msk [tilespmem:v40+s3+$0x0], $0xffff  }
0x3f: {  	v43 =	vadd.s32 $0x2D8, v4  }
0x40: {  	v7 =	vld.idx.msk [tilespmem:v41+s3+$0x0], $0xffff  }
0x41: {  	v44 =	vadd.s32 $0x310, v3;
	v2 =	vadd.f32 v9, v2  }
0x42: {  	v10 =	vld.idx.msk [tilespmem:v42+s3+$0x0], $0xffff  }
0x43: {  	v2 =	vadd.f32 v8, v2  }
0x44: {  	v45 =	vld.idx.msk [tilespmem:v43+s3+$0x0], $0xffff  }
0x45: {  	v2 =	vadd.f32 v7, v2  }
0x46: {  	v46 =	vld.idx.msk [tilespmem:v44+s3+$0x0], $0xffff  }
0x47: {  	v2 =	vadd.f32 v10, v2  }
0x48: {  	v47 =	vor.u32 $0x1, v36  }
0x49: {  	v48 =	vadd.s32 $0x380, v16;
	v2 =	vadd.f32 v45, v2  }
0x4a: {  	v49 =	vadd.s32 $0x3B8, v15  }
0x4b: {  	v2 =	vadd.f32 v46, v2  }
0x4c: {  	v50 =	vadd.s32 $0x3F0, v14  }
0x4d: {  	[tilespmem:v47+s13+$0x0] =	vst.idx.msk $0xffff, v2  }
0x4e: {  	v51 =	vadd.s32 $0x428, v6;
	v2 =	vld.idx.msk [tilespmem:v48+s3+$0x0], $0xffff  }
0x4f: {  	v9 =	vld.idx.msk [tilespmem:v49+s3+$0x0], $0xffff  }
0x50: {  	v52 =	vadd.s32 $0x460, v5  }
0x51: {  	v7 =	vld.idx.msk [tilespmem:v50+s3+$0x0], $0xffff  }
0x52: {  	v53 =	vadd.s32 $0x498, v4  }
0x53: {  	v8 =	vld.idx.msk [tilespmem:v51+s3+$0x0], $0xffff  }
0x54: {  	v54 =	vadd.s32 $0x4D0, v3;
	v2 =	vadd.f32 v9, v2  }
0x55: {  	v10 =	vld.idx.msk [tilespmem:v52+s3+$0x0], $0xffff  }
0x56: {  	v2 =	vadd.f32 v7, v2  }
0x57: {  	v55 =	vld.idx.msk [tilespmem:v53+s3+$0x0], $0xffff  }
0x58: {  	v2 =	vadd.f32 v8, v2  }
0x59: {  	v56 =	vld.idx.msk [tilespmem:v54+s3+$0x0], $0xffff  }
0x5a: {  	v2 =	vadd.f32 v10, v2  }
0x5b: {  	v57 =	vor.u32 $0x2, v36  }
0x5c: {  	s30 =	sadd.s32 $0xFFFFFFE0, s18;
	v58 =	vadd.s32 $0x540, v16;
	v2 =	vadd.f32 v55, v2  }
0x5d: {  	v17 =	vor.u32 s30, v0;
	v59 =	vadd.s32 $0x578, v15  }
0x5e: {  	v60 =	vadd.s32 $0x5B0, v14;
	v8 =	vadd.f32 v56, v2;
	v2 =	vshll.u32 v17, $0x3  }
0x5f: {  	v18 =	vor.u32 $0x1, v2  }
0x60: {  	[tilespmem:v57+s13+$0x0] =	vst.idx.msk $0xffff, v8  }
0x61: {  	v19 =	vld.idx.msk [tilespmem:v58+s3+$0x0], $0xffff  }
0x62: {  	v61 =	vadd.s32 $0x5E8, v6;
	v10 =	vld.idx.msk [tilespmem:v59+s3+$0x0], $0xffff  }
0x63: {  	v20 =	vld.idx.msk [tilespmem:v60+s3+$0x0], $0xffff  }
0x64: {  	v62 =	vadd.s32 $0x620, v5;
	v12 =	vld.idx.msk [tilespmem:v18+s10+$0x0], $0xffff  }
0x65: {  	v21 =	vor.u32 $0x2, v2;
	v13 =	vld.idx.msk [tilespmem:v2+s10+$0x0], $0xffff  }
0x66: {  	v22 =	vor.u32 $0x3, v2;
	v8 =	vld.idx.msk [tilespmem:v2+s11+$0x0], $0xffff  }
0x67: {  	v24 =	vor.u32 $0x4, v2;
	v23 =	vld.idx.msk [tilespmem:v61+s3+$0x0], $0xffff  }
0x68: {  	v9 =	vld.idx.msk [tilespmem:v18+s11+$0x0], $0xffff  }
0x69: {  	v63 =	vld.idx.msk [tilespmem:v62+s3+$0x0], $0xffff;
	v25 =	vadd.s32 $0x38, v12  }
0x6a: {  	v26 =	vadd.s32 $0x658, v4;
	v11 =	vld.idx.msk [tilespmem:v21+s11+$0x0], $0xffff  }
0x6b: {  	v7 =	vld.idx.msk [tilespmem:v22+s11+$0x0], $0xffff;
	v30 =	vadd.s32 $0x70, v8  }
0x6c: {  	v31 =	vadd.s32 $0x690, v3;
	v19 =	vadd.f32 v10, v19;
	v10 =	vld.idx.msk [tilespmem:v24+s11+$0x0], $0xffff  }
0x6d: {  	v32 =	vadd.s32 $0xA8, v9;
	v27 =	vld.idx.msk [tilespmem:v13+s3+$0x0], $0xffff  }
0x6e: {  	v19 =	vadd.f32 v20, v19;
	v33 =	vld.idx.msk [tilespmem:v25+s3+$0x0], $0xffff  }
0x6f: {  	v34 =	vld.idx.msk [tilespmem:v26+s3+$0x0], $0xffff;
	v35 =	vadd.s32 $0xE0, v11  }
0x70: {  	v19 =	vadd.f32 v23, v19;
	v21 =	vld.idx.msk [tilespmem:v30+s3+$0x0], $0xffff  }
0x71: {  	v22 =	vld.idx.msk [tilespmem:v31+s3+$0x0], $0xffff;
	v37 =	vadd.s32 $0x118, v7  }
0x72: {  	v18 =	vadd.f32 v63, v19;
	v38 =	vld.idx.msk [tilespmem:v32+s3+$0x0], $0xffff  }
0x73: {  	v39 =	vor.u32 $0x3, v36;
	v28 =	vadd.s32 $0x150, v10;
	v20 =	vadd.f32 v33, v27  }
0x74: {  	v40 =	vadd.s32 $0x700, v16;
	v18 =	vadd.f32 v34, v18;
	v26 =	vld.idx.msk [tilespmem:v35+s3+$0x0], $0xffff  }
0x75: {  	v41 =	vadd.s32 $0x738, v15;
	v20 =	vadd.f32 v21, v20  }
0x76: {  	v42 =	vld.idx.msk [tilespmem:v37+s3+$0x0], $0xffff;
	v18 =	vadd.f32 v22, v18  }
0x77: {  	v43 =	vadd.s32 $0x770, v14;
	v19 =	vadd.f32 v38, v20  }
0x78: {  	v44 =	vld.idx.msk [tilespmem:v28+s3+$0x0], $0xffff;
	[tilespmem:v39+s13+$0x0] =	vst.idx.msk $0xffff, v18  }
0x79: {  	v46 =	vadd.s32 $0x7A8, v6;
	v45 =	vld.idx.msk [tilespmem:v40+s3+$0x0], $0xffff;
	v47 =	vadd.f32 v26, v19  }
0x7a: {  	v49 =	vadd.s32 $0x7E0, v5;
	v48 =	vld.idx.msk [tilespmem:v41+s3+$0x0], $0xffff;
	v19 =	vshll.u32 v17, $0x4  }
0x7b: {  	v51 =	vadd.s32 $0x1C0, v13;
	v50 =	vadd.f32 v42, v47  }
0x7c: {  	v52 =	vadd.s32 $0x1F8, v12;
	v22 =	vld.idx.msk [tilespmem:v43+s3+$0x0], $0xffff  }
0x7d: {  	v53 =	vadd.s32 $0x818, v4;
	v17 =	vadd.f32 v44, v50  }
0x7e: {  	v55 =	vadd.s32 $0x230, v8;
	v54 =	vld.idx.msk [tilespmem:v46+s3+$0x0], $0xffff  }
0x7f: {  	v57 =	vadd.s32 $0x850, v3;
	v56 =	vld.idx.msk [tilespmem:v49+s3+$0x0], $0xffff;
	v20 =	vadd.f32 v48, v45;
	[tilespmem:v19+s13+$0x0] =	vst.idx.msk $0xffff, v17  }
0x80: {  	v58 =	vadd.s32 $0x268, v9;
	v17 =	vld.idx.msk [tilespmem:v51+s3+$0x0], $0xffff  }
0x81: {  	v20 =	vadd.f32 v22, v20;
	v59 =	vld.idx.msk [tilespmem:v52+s3+$0x0], $0xffff  }
0x82: {  	v61 =	vadd.s32 $0x2A0, v11;
	v60 =	vld.idx.msk [tilespmem:v53+s3+$0x0], $0xffff  }
0x83: {  	v18 =	vadd.f32 v54, v20;
	v62 =	vld.idx.msk [tilespmem:v55+s3+$0x0], $0xffff  }
0x84: {  	v32 =	vadd.s32 $0x2D8, v7;
	v63 =	vld.idx.msk [tilespmem:v57+s3+$0x0], $0xffff  }
0x85: {  	v18 =	vadd.f32 v56, v18;
	v21 =	vld.idx.msk [tilespmem:v58+s3+$0x0], $0xffff  }
0x86: {  	v34 =	vadd.s32 $0x310, v10;
	v33 =	vor.u32 $0x4, v36;
	v17 =	vadd.f32 v59, v17  }
0x87: {  	v35 =	vadd.s32 $0x8C0, v16;
	v18 =	vadd.f32 v60, v18;
	v27 =	vld.idx.msk [tilespmem:v61+s3+$0x0], $0xffff  }
0x88: {  	v37 =	vadd.s32 $0x8F8, v15;
	v17 =	vadd.f32 v62, v17  }
0x89: {  	v38 =	vld.idx.msk [tilespmem:v32+s3+$0x0], $0xffff;
	v18 =	vadd.f32 v63, v18  }
0x8a: {  	v39 =	vadd.s32 $0x930, v14;
	v17 =	vadd.f32 v21, v17  }
0x8b: {  	v40 =	vld.idx.msk [tilespmem:v34+s3+$0x0], $0xffff;
	[tilespmem:v33+s13+$0x0] =	vst.idx.msk $0xffff, v18  }
0x8c: {  	v42 =	vadd.s32 $0x968, v6;
	v41 =	vld.idx.msk [tilespmem:v35+s3+$0x0], $0xffff;
	v17 =	vadd.f32 v27, v17  }
0x8d: {  	v45 =	vor.u32 $0x1, v19;
	v44 =	vadd.s32 $0x9A0, v5;
	v43 =	vld.idx.msk [tilespmem:v37+s3+$0x0], $0xffff  }
0x8e: {  	v46 =	vadd.s32 $0x380, v13;
	v17 =	vadd.f32 v38, v17  }
0x8f: {  	v47 =	vadd.s32 $0x3B8, v12;
	v23 =	vld.idx.msk [tilespmem:v39+s3+$0x0], $0xffff  }
0x90: {  	v48 =	vadd.s32 $0x9D8, v4;
	v17 =	vadd.f32 v40, v17  }
0x91: {  	v50 =	vadd.s32 $0x3F0, v8;
	v49 =	vld.idx.msk [tilespmem:v42+s3+$0x0], $0xffff  }
0x92: {  	v52 =	vadd.s32 $0xA10, v3;
	v51 =	vld.idx.msk [tilespmem:v44+s3+$0x0], $0xffff;
	v21 =	vadd.f32 v43, v41;
	[tilespmem:v45+s13+$0x0] =	vst.idx.msk $0xffff, v17  }
0x93: {  	v53 =	vadd.s32 $0x428, v9;
	v17 =	vld.idx.msk [tilespmem:v46+s3+$0x0], $0xffff  }
0x94: {  	v21 =	vadd.f32 v23, v21;
	v54 =	vld.idx.msk [tilespmem:v47+s3+$0x0], $0xffff  }
0x95: {  	v56 =	vadd.s32 $0x460, v11;
	v55 =	vld.idx.msk [tilespmem:v48+s3+$0x0], $0xffff  }
0x96: {  	v18 =	vadd.f32 v49, v21;
	v57 =	vld.idx.msk [tilespmem:v50+s3+$0x0], $0xffff  }
0x97: {  	v58 =	vld.idx.msk [tilespmem:v52+s3+$0x0], $0xffff;
	v59 =	vadd.s32 $0x498, v7  }
0x98: {  	v18 =	vadd.f32 v51, v18;
	v20 =	vld.idx.msk [tilespmem:v53+s3+$0x0], $0xffff  }
0x99: {  	v60 =	vor.u32 $0x5, v36;
	v61 =	vadd.s32 $0x4D0, v10;
	v17 =	vadd.f32 v54, v17  }
0x9a: {  	v62 =	vadd.s32 $0xA80, v16;
	v18 =	vadd.f32 v55, v18;
	v27 =	vld.idx.msk [tilespmem:v56+s3+$0x0], $0xffff  }
0x9b: {  	v63 =	vadd.s32 $0xAB8, v15;
	v17 =	vadd.f32 v57, v17  }
0x9c: {  	v30 =	vld.idx.msk [tilespmem:v59+s3+$0x0], $0xffff;
	v18 =	vadd.f32 v58, v18  }
0x9d: {  	v31 =	vadd.s32 $0xAF0, v14;
	v17 =	vadd.f32 v20, v17  }
0x9e: {  	v32 =	vld.idx.msk [tilespmem:v61+s3+$0x0], $0xffff;
	[tilespmem:v60+s13+$0x0] =	vst.idx.msk $0xffff, v18  }
0x9f: {  	v34 =	vadd.s32 $0xB28, v6;
	v33 =	vld.idx.msk [tilespmem:v62+s3+$0x0], $0xffff;
	v17 =	vadd.f32 v27, v17  }
0xa0: {  	v35 =	vadd.s32 $0xB60, v5;
	v37 =	vor.u32 $0x2, v19;
	v24 =	vld.idx.msk [tilespmem:v63+s3+$0x0], $0xffff  }
0xa1: {  	v38 =	vadd.s32 $0x540, v13;
	v17 =	vadd.f32 v30, v17  }
0xa2: {  	v39 =	vadd.s32 $0x578, v12;
	v22 =	vld.idx.msk [tilespmem:v31+s3+$0x0], $0xffff  }
0xa3: {  	v40 =	vadd.s32 $0xB98, v4;
	v17 =	vadd.f32 v32, v17  }
0xa4: {  	v42 =	vadd.s32 $0x5B0, v8;
	v41 =	vld.idx.msk [tilespmem:v34+s3+$0x0], $0xffff  }
0xa5: {  	v44 =	vadd.s32 $0xBD0, v3;
	v43 =	vld.idx.msk [tilespmem:v35+s3+$0x0], $0xffff;
	v20 =	vadd.f32 v24, v33;
	[tilespmem:v37+s13+$0x0] =	vst.idx.msk $0xffff, v17  }
0xa6: {  	v45 =	vadd.s32 $0x5E8, v9;
	v17 =	vld.idx.msk [tilespmem:v38+s3+$0x0], $0xffff  }
0xa7: {  	v20 =	vadd.f32 v22, v20;
	v46 =	vld.idx.msk [tilespmem:v39+s3+$0x0], $0xffff  }
0xa8: {  	v48 =	vadd.s32 $0x620, v11;
	v47 =	vld.idx.msk [tilespmem:v40+s3+$0x0], $0xffff  }
0xa9: {  	v18 =	vadd.f32 v41, v20;
	v49 =	vld.idx.msk [tilespmem:v42+s3+$0x0], $0xffff  }
0xaa: {  	v51 =	vadd.s32 $0x658, v7;
	v50 =	vld.idx.msk [tilespmem:v44+s3+$0x0], $0xffff  }
0xab: {  	v18 =	vadd.f32 v43, v18;
	v21 =	vld.idx.msk [tilespmem:v45+s3+$0x0], $0xffff  }
0xac: {  	v52 =	vor.u32 $0x6, v36;
	v53 =	vadd.s32 $0x690, v10;
	v17 =	vadd.f32 v46, v17  }
0xad: {  	v54 =	vadd.s32 $0xC40, v16;
	v18 =	vadd.f32 v47, v18;
	v27 =	vld.idx.msk [tilespmem:v48+s3+$0x0], $0xffff  }
0xae: {  	v55 =	vadd.s32 $0xC78, v15;
	v17 =	vadd.f32 v49, v17  }
0xaf: {  	v56 =	vld.idx.msk [tilespmem:v51+s3+$0x0], $0xffff;
	v18 =	vadd.f32 v50, v18  }
0xb0: {  	v57 =	vadd.s32 $0xCB0, v14;
	v17 =	vadd.f32 v21, v17  }
0xb1: {  	v58 =	vld.idx.msk [tilespmem:v53+s3+$0x0], $0xffff;
	[tilespmem:v52+s13+$0x0] =	vst.idx.msk $0xffff, v18  }
0xb2: {  	v60 =	vadd.s32 $0xCE8, v6;
	v59 =	vld.idx.msk [tilespmem:v54+s3+$0x0], $0xffff;
	v17 =	vadd.f32 v27, v17  }
0xb3: {  	v61 =	vadd.s32 $0xD20, v5;
	v62 =	vor.u32 $0x3, v19;
	v24 =	vld.idx.msk [tilespmem:v55+s3+$0x0], $0xffff  }
0xb4: {  	v63 =	vadd.s32 $0x700, v13;
	v17 =	vadd.f32 v56, v17  }
0xb5: {  	v32 =	vadd.s32 $0x738, v12;
	v23 =	vld.idx.msk [tilespmem:v57+s3+$0x0], $0xffff  }
0xb6: {  	v33 =	vadd.s32 $0xD58, v4;
	v17 =	vadd.f32 v58, v17  }
0xb7: {  	v35 =	vadd.s32 $0x770, v8;
	v34 =	vld.idx.msk [tilespmem:v60+s3+$0x0], $0xffff  }
0xb8: {  	v38 =	vadd.s32 $0xD90, v3;
	v37 =	vld.idx.msk [tilespmem:v61+s3+$0x0], $0xffff;
	v21 =	vadd.f32 v24, v59;
	[tilespmem:v62+s13+$0x0] =	vst.idx.msk $0xffff, v17  }
0xb9: {  	v39 =	vadd.s32 $0x7A8, v9;
	v17 =	vld.idx.msk [tilespmem:v63+s3+$0x0], $0xffff  }
0xba: {  	v21 =	vadd.f32 v23, v21;
	v40 =	vld.idx.msk [tilespmem:v32+s3+$0x0], $0xffff  }
0xbb: {  	v42 =	vadd.s32 $0x7E0, v11;
	v41 =	vld.idx.msk [tilespmem:v33+s3+$0x0], $0xffff  }
0xbc: {  	v18 =	vadd.f32 v34, v21;
	v43 =	vld.idx.msk [tilespmem:v35+s3+$0x0], $0xffff  }
0xbd: {  	v45 =	vadd.s32 $0x818, v7;
	v44 =	vld.idx.msk [tilespmem:v38+s3+$0x0], $0xffff  }
0xbe: {  	v18 =	vadd.f32 v37, v18;
	v20 =	vld.idx.msk [tilespmem:v39+s3+$0x0], $0xffff  }
0xbf: {  	v47 =	vadd.s32 $0x850, v10;
	v46 =	vor.u32 $0x7, v36;
	v17 =	vadd.f32 v40, v17  }
0xc0: {  	v48 =	vadd.s32 $0xE00, v16;
	v18 =	vadd.f32 v41, v18;
	v27 =	vld.idx.msk [tilespmem:v42+s3+$0x0], $0xffff  }
0xc1: {  	v49 =	vadd.s32 $0xE38, v15;
	v17 =	vadd.f32 v43, v17  }
0xc2: {  	v50 =	vld.idx.msk [tilespmem:v45+s3+$0x0], $0xffff;
	v18 =	vadd.f32 v44, v18  }
0xc3: {  	v51 =	vadd.s32 $0xE70, v14;
	v17 =	vadd.f32 v20, v17  }
0xc4: {  	v52 =	vld.idx.msk [tilespmem:v47+s3+$0x0], $0xffff;
	[tilespmem:v46+s13+$0x0] =	vst.idx.msk $0xffff, v18  }
0xc5: {  	v54 =	vadd.s32 $0xEA8, v6;
	v53 =	vld.idx.msk [tilespmem:v48+s3+$0x0], $0xffff;
	v17 =	vadd.f32 v27, v17  }
0xc6: {  	v55 =	vadd.s32 $0xEE0, v5;
	v56 =	vor.u32 $0x4, v19;
	v24 =	vld.idx.msk [tilespmem:v49+s3+$0x0], $0xffff  }
0xc7: {  	v57 =	vadd.s32 $0x8C0, v13;
	v17 =	vadd.f32 v50, v17  }
0xc8: {  	v58 =	vadd.s32 $0x8F8, v12;
	v22 =	vld.idx.msk [tilespmem:v51+s3+$0x0], $0xffff  }
0xc9: {  	v59 =	vadd.s32 $0xF18, v4;
	v17 =	vadd.f32 v52, v17  }
0xca: {  	v61 =	vadd.s32 $0x930, v8;
	v60 =	vld.idx.msk [tilespmem:v54+s3+$0x0], $0xffff  }
0xcb: {  	v63 =	vadd.s32 $0xF50, v3;
	v62 =	vld.idx.msk [tilespmem:v55+s3+$0x0], $0xffff;
	v20 =	vadd.f32 v24, v53;
	[tilespmem:v56+s13+$0x0] =	vst.idx.msk $0xffff, v17  }
0xcc: {  	v30 =	vadd.s32 $0x968, v9;
	v17 =	vld.idx.msk [tilespmem:v57+s3+$0x0], $0xffff  }
0xcd: {  	v20 =	vadd.f32 v22, v20;
	v31 =	vld.idx.msk [tilespmem:v58+s3+$0x0], $0xffff  }
0xce: {  	v33 =	vadd.s32 $0x9A0, v11;
	v32 =	vld.idx.msk [tilespmem:v59+s3+$0x0], $0xffff  }
0xcf: {  	v18 =	vadd.f32 v60, v20;
	v34 =	vld.idx.msk [tilespmem:v61+s3+$0x0], $0xffff  }
0xd0: {  	v37 =	vadd.s32 $0x9D8, v7;
	v35 =	vld.idx.msk [tilespmem:v63+s3+$0x0], $0xffff  }
0xd1: {  	v18 =	vadd.f32 v62, v18;
	v21 =	vld.idx.msk [tilespmem:v30+s3+$0x0], $0xffff  }
0xd2: {  	v38 =	vor.u32 $0x8, v36;
	v39 =	vadd.s32 $0xA10, v10;
	v17 =	vadd.f32 v31, v17  }
0xd3: {  	v40 =	vadd.s32 $0xFC0, v16;
	v18 =	vadd.f32 v32, v18;
	v27 =	vld.idx.msk [tilespmem:v33+s3+$0x0], $0xffff  }
0xd4: {  	v41 =	vadd.s32 $0xFF8, v15;
	v17 =	vadd.f32 v34, v17  }
0xd5: {  	v42 =	vadd.s32 $0x1030, v14;
	v43 =	vld.idx.msk [tilespmem:v37+s3+$0x0], $0xffff;
	v18 =	vadd.f32 v35, v18  }
0xd6: {  	v44 =	vadd.s32 $0x1068, v6;
	v17 =	vadd.f32 v21, v17  }
0xd7: {  	v45 =	vadd.s32 $0x10A0, v5;
	v46 =	vld.idx.msk [tilespmem:v39+s3+$0x0], $0xffff;
	[tilespmem:v38+s13+$0x0] =	vst.idx.msk $0xffff, v18  }
0xd8: {  	v47 =	vadd.s32 $0x10D8, v4;
	v37 =	vld.idx.msk [tilespmem:v40+s3+$0x0], $0xffff;
	v17 =	vadd.f32 v27, v17  }
0xd9: {  	s31 =	sadd.s32 $0xFFFFFFF0, s18;
	v48 =	vadd.s32 $0x1110, v3;
	v49 =	vor.u32 $0x5, v19;
	v38 =	vld.idx.msk [tilespmem:v41+s3+$0x0], $0xffff  }
0xda: {  	v51 =	vadd.s32 $0xA80, v13;
	v39 =	vld.idx.msk [tilespmem:v42+s3+$0x0], $0xffff;
	v34 =	vor.u32 s31, v0;
	v50 =	vadd.f32 v43, v17  }
0xdb: {  	v40 =	vld.idx.msk [tilespmem:v44+s3+$0x0], $0xffff;
	v17 =	vshll.u32 v34, $0x3  }
0xdc: {  	v53 =	vadd.s32 $0xAB8, v12;
	v41 =	vld.idx.msk [tilespmem:v45+s3+$0x0], $0xffff;
	v52 =	vadd.f32 v46, v50  }
0xdd: {  	v42 =	vld.idx.msk [tilespmem:v47+s3+$0x0], $0xffff  }
0xde: {  	v43 =	vld.idx.msk [tilespmem:v48+s3+$0x0], $0xffff;
	v54 =	vor.u32 $0x1, v17;
	[tilespmem:v49+s13+$0x0] =	vst.idx.msk $0xffff, v52  }
0xdf: {  	v44 =	vld.idx.msk [tilespmem:v51+s3+$0x0], $0xffff  }
0xe0: {  	v55 =	vor.u32 $0x2, v17;
	v26 =	vld.idx.msk [tilespmem:v17+s10+$0x0], $0xffff  }
0xe1: {  	v56 =	vor.u32 $0x3, v17;
	v45 =	vld.idx.msk [tilespmem:v53+s3+$0x0], $0xffff  }
0xe2: {  	v57 =	vor.u32 $0x4, v17;
	v46 =	vor.u32 s18, v0;
	v24 =	vld.idx.msk [tilespmem:v17+s11+$0x0], $0xffff  }
0xe3: {  	v18 =	vshll.u32 v46, $0x3;
	v28 =	vld.idx.msk [tilespmem:v54+s10+$0x0], $0xffff  }
0xe4: {  	v23 =	vld.idx.msk [tilespmem:v54+s11+$0x0], $0xffff  }
0xe5: {  	v58 =	vor.u32 $0x1, v18;
	v22 =	vld.idx.msk [tilespmem:v55+s11+$0x0], $0xffff  }
0xe6: {  	v30 =	vor.u32 $0x2, v18;
	v21 =	vld.idx.msk [tilespmem:v56+s11+$0x0], $0xffff  }
0xe7: {  	v47 =	vor.u32 $0x3, v18;
	v20 =	vld.idx.msk [tilespmem:v57+s11+$0x0], $0xffff  }
0xe8: {  	v33 =	vld.idx.msk [tilespmem:v18+s10+$0x0], $0xffff;
	v29 =	vadd.s32 $0x38, v28  }
0xe9: {  	v31 =	vld.idx.msk [tilespmem:v18+s11+$0x0], $0xffff  }
0xea: {  	v49 =	vor.u32 $0x4, v18;
	v32 =	vld.idx.msk [tilespmem:v58+s10+$0x0], $0xffff  }
0xeb: {  	v30 =	vld.idx.msk [tilespmem:v30+s11+$0x0], $0xffff  }
0xec: {  	v27 =	vld.idx.msk [tilespmem:v47+s11+$0x0], $0xffff;
	v59 =	vadd.s32 $0x70, v24  }
0xed: {  	v48 =	vld.idx.msk [tilespmem:v29+s3+$0x0], $0xffff  }
0xee: {  	v52 =	vadd.s32 $0xA8, v23;
	v29 =	vld.idx.msk [tilespmem:v58+s11+$0x0], $0xffff  }
0xef: {  	v25 =	vld.idx.msk [tilespmem:v49+s11+$0x0], $0xffff;
	v51 =	vadd.s32 $0x38, v32  }
0xf0: {  	v60 =	vadd.s32 $0xE0, v22;
	v35 =	vld.idx.msk [tilespmem:v26+s3+$0x0], $0xffff  }
0xf1: {  	v53 =	vadd.s32 $0x70, v31;
	v50 =	vld.idx.msk [tilespmem:v59+s3+$0x0], $0xffff  }
0xf2: {  	v55 =	vadd.s32 $0x118, v21;
	v54 =	vld.idx.msk [tilespmem:v33+s3+$0x0], $0xffff  }
0xf3: {  	v52 =	vld.idx.msk [tilespmem:v52+s3+$0x0], $0xffff;
	v61 =	vadd.s32 $0xA8, v29  }
0xf4: {  	v51 =	vld.idx.msk [tilespmem:v51+s3+$0x0], $0xffff  }
0xf5: {  	v56 =	vadd.s32 $0xE0, v30;
	v47 =	vld.idx.msk [tilespmem:v60+s3+$0x0], $0xffff;
	v35 =	vadd.f32 v48, v35  }
0xf6: {  	v57 =	vadd.s32 $0x150, v20;
	v62 =	vld.idx.msk [tilespmem:v53+s3+$0x0], $0xffff  }
0xf7: {  	v63 =	vadd.s32 $0x118, v27;
	v35 =	vadd.f32 v50, v35;
	v50 =	vld.idx.msk [tilespmem:v55+s3+$0x0], $0xffff  }
0xf8: {  	v60 =	vadd.s32 $0xB28, v9;
	v49 =	vld.idx.msk [tilespmem:v61+s3+$0x0], $0xffff  }
0xf9: {  	v55 =	vadd.s32 $0x150, v25;
	v51 =	vadd.f32 v51, v54;
	v35 =	vadd.f32 v52, v35  }
0xfa: {  	v59 =	vadd.s32 $0xBD0, v10;
	v52 =	vld.idx.msk [tilespmem:v56+s3+$0x0], $0xffff  }
0xfb: {  	v57 =	vld.idx.msk [tilespmem:v57+s3+$0x0], $0xffff;
	v61 =	vadd.s32 $0xB60, v11;
	v48 =	vadd.f32 v62, v51;
	v47 =	vadd.f32 v47, v35  }
0xfc: {  	v58 =	vadd.s32 $0xAF0, v8;
	v53 =	vld.idx.msk [tilespmem:v63+s3+$0x0], $0xffff;
	v62 =	vadd.s32 $0xB98, v7  }
0xfd: {  	v35 =	vshll.u32 v34, $0x4;
	v47 =	vadd.f32 v50, v47;
	v50 =	vld.idx.msk [tilespmem:v60+s3+$0x0], $0xffff;
	v63 =	vadd.f32 v49, v48  }
0xfe: {  	v60 =	vadd.s32 $0x1F8, v28;
	v49 =	vld.idx.msk [tilespmem:v55+s3+$0x0], $0xffff  }
0xff: {  	v37 =	vadd.f32 v38, v37;
	v38 =	vld.idx.msk [tilespmem:v59+s3+$0x0], $0xffff;
	v48 =	vadd.s32 $0x1C0, v26;
	v52 =	vadd.f32 v52, v63  }
0x100: {  	v34 =	vshll.u32 v46, $0x4;
	v55 =	vld.idx.msk [tilespmem:v61+s3+$0x0], $0xffff;
	v47 =	vadd.f32 v57, v47;
	v61 =	vadd.s32 $0x230, v24  }
0x101: {  	v46 =	vld.idx.msk [tilespmem:v62+s3+$0x0], $0xffff;
	v63 =	vadd.s32 $0x1C0, v33;
	v62 =	vadd.f32 v53, v52  }
0x102: {  	v58 =	vld.idx.msk [tilespmem:v58+s3+$0x0], $0xffff;
	[tilespmem:v35+s13+$0x0] =	vst.idx.msk $0xffff, v47;
	v47 =	vadd.s32 $0x1F8, v32  }
0x103: {  	v37 =	vadd.f32 v39, v37;
	v39 =	vld.idx.msk [tilespmem:v60+s3+$0x0], $0xffff;
	v53 =	vadd.s32 $0x268, v23;
	v49 =	vadd.f32 v49, v62  }
0x104: {  	v60 =	vadd.s32 $0x230, v31;
	v48 =	vld.idx.msk [tilespmem:v48+s3+$0x0], $0xffff  }
0x105: {  	v54 =	vld.idx.msk [tilespmem:v61+s3+$0x0], $0xffff;
	v61 =	vadd.s32 $0x2A0, v22;
	[tilespmem:v34+s13+$0x0] =	vst.idx.msk $0xffff, v49  }
0x106: {  	v37 =	vadd.f32 v40, v37;
	v62 =	vadd.s32 $0x268, v29;
	v40 =	vld.idx.msk [tilespmem:v63+s3+$0x0], $0xffff  }
0x107: {  	v44 =	vadd.f32 v45, v44;
	v63 =	vadd.s32 $0x2D8, v21;
	v47 =	vld.idx.msk [tilespmem:v47+s3+$0x0], $0xffff  }
0x108: {  	v37 =	vadd.f32 v41, v37;
	v57 =	vadd.s32 $0x2A0, v30;
	v41 =	vld.idx.msk [tilespmem:v53+s3+$0x0], $0xffff  }
0x109: {  	v59 =	vadd.s32 $0x310, v20;
	v44 =	vadd.f32 v58, v44;
	v51 =	vld.idx.msk [tilespmem:v60+s3+$0x0], $0xffff;
	v39 =	vadd.f32 v39, v48  }
0x10a: {  	v37 =	vadd.f32 v42, v37;
	v60 =	vld.idx.msk [tilespmem:v61+s3+$0x0], $0xffff;
	v61 =	vadd.s32 $0x2D8, v27  }
0x10b: {  	v44 =	vadd.f32 v50, v44;
	v49 =	vld.idx.msk [tilespmem:v62+s3+$0x0], $0xffff;
	v39 =	vadd.f32 v54, v39  }
0x10c: {  	v37 =	vadd.f32 v43, v37;
	v62 =	vld.idx.msk [tilespmem:v63+s3+$0x0], $0xffff;
	v40 =	vadd.f32 v47, v40;
	v63 =	vadd.s32 $0x310, v25  }
0x10d: {  	v36 =	vor.u32 $0x9, v36;
	v44 =	vadd.f32 v55, v44;
	v39 =	vadd.f32 v41, v39;
	v41 =	vld.idx.msk [tilespmem:v57+s3+$0x0], $0xffff  }
0x10e: {  	v56 =	vadd.s32 $0x1180, v16;
	v48 =	vld.idx.msk [tilespmem:v59+s3+$0x0], $0xffff;
	v57 =	vor.u32 $0x6, v19;
	v40 =	vadd.f32 v51, v40  }
0x10f: {  	v58 =	vadd.s32 $0xC40, v13;
	v44 =	vadd.f32 v46, v44;
	v59 =	vld.idx.msk [tilespmem:v61+s3+$0x0], $0xffff;
	v39 =	vadd.f32 v60, v39  }
0x110: {  	v61 =	vor.u32 $0x1, v35;
	v60 =	vadd.s32 $0xC78, v12;
	v40 =	vadd.f32 v49, v40  }
0x111: {  	v38 =	vadd.f32 v38, v44;
	v39 =	vadd.f32 v62, v39;
	v62 =	vadd.s32 $0x380, v26;
	v63 =	vld.idx.msk [tilespmem:v63+s3+$0x0], $0xffff  }
0x112: {  	[tilespmem:v36+s13+$0x0] =	vst.idx.msk $0xffff, v37;
	v49 =	vadd.s32 $0x3B8, v28;
	v40 =	vadd.f32 v41, v40  }
0x113: {  	v36 =	vld.idx.msk [tilespmem:v56+s3+$0x0], $0xffff;
	v53 =	vadd.s32 $0x3F0, v24;
	v54 =	vor.u32 $0x1, v34;
	[tilespmem:v57+s13+$0x0] =	vst.idx.msk $0xffff, v38;
	v50 =	vadd.f32 v48, v39  }
0x114: {  	v55 =	vadd.s32 $0x380, v33;
	v45 =	vld.idx.msk [tilespmem:v58+s3+$0x0], $0xffff;
	v40 =	vadd.f32 v59, v40  }
0x115: {  	v56 =	vadd.s32 $0x3B8, v32;
	v46 =	vld.idx.msk [tilespmem:v60+s3+$0x0], $0xffff;
	[tilespmem:v61+s13+$0x0] =	vst.idx.msk $0xffff, v50  }
0x116: {  	v57 =	vadd.s32 $0x428, v23;
	v43 =	vld.idx.msk [tilespmem:v62+s3+$0x0], $0xffff;
	v40 =	vadd.f32 v63, v40  }
0x117: {  	v58 =	vadd.s32 $0x3F0, v31;
	v37 =	vld.idx.msk [tilespmem:v49+s3+$0x0], $0xffff  }
0x118: {  	v59 =	vadd.s32 $0x460, v22;
	v39 =	vld.idx.msk [tilespmem:v53+s3+$0x0], $0xffff;
	[tilespmem:v54+s13+$0x0] =	vst.idx.msk $0xffff, v40  }
0x119: {  	v60 =	vadd.s32 $0x428, v29;
	v40 =	vld.idx.msk [tilespmem:v55+s3+$0x0], $0xffff  }
0x11a: {  	v61 =	vadd.s32 $0x498, v21;
	v38 =	vld.idx.msk [tilespmem:v56+s3+$0x0], $0xffff  }
0x11b: {  	v47 =	vld.idx.msk [tilespmem:v57+s3+$0x0], $0xffff;
	v62 =	vadd.s32 $0x460, v30  }
0x11c: {  	v63 =	vadd.s32 $0x4D0, v20;
	v44 =	vld.idx.msk [tilespmem:v58+s3+$0x0], $0xffff;
	v37 =	vadd.f32 v37, v43  }
0x11d: {  	v54 =	vadd.s32 $0x498, v27;
	v48 =	vld.idx.msk [tilespmem:v59+s3+$0x0], $0xffff  }
0x11e: {  	v55 =	vadd.s32 $0xCB0, v8;
	v37 =	vadd.f32 v39, v37;
	v39 =	vld.idx.msk [tilespmem:v60+s3+$0x0], $0xffff  }
0x11f: {  	v56 =	vadd.s32 $0x4D0, v25;
	v41 =	vld.idx.msk [tilespmem:v61+s3+$0x0], $0xffff;
	v38 =	vadd.f32 v38, v40  }
0x120: {  	v59 =	vadd.s32 $0xD20, v11;
	v58 =	vld.idx.msk [tilespmem:v62+s3+$0x0], $0xffff;
	v37 =	vadd.f32 v47, v37  }
0x121: {  	v57 =	vadd.s32 $0xCE8, v9;
	v43 =	vld.idx.msk [tilespmem:v63+s3+$0x0], $0xffff;
	v38 =	vadd.f32 v44, v38  }
0x122: {  	v62 =	vadd.s32 $0xD90, v10;
	v61 =	vld.idx.msk [tilespmem:v54+s3+$0x0], $0xffff;
	v37 =	vadd.f32 v48, v37  }
0x123: {  	v63 =	vor.u32 $0x2, v35;
	v60 =	vadd.s32 $0xD58, v7;
	v50 =	vld.idx.msk [tilespmem:v55+s3+$0x0], $0xffff;
	v38 =	vadd.f32 v39, v38  }
0x124: {  	v55 =	vadd.s32 $0x540, v26;
	v40 =	vld.idx.msk [tilespmem:v56+s3+$0x0], $0xffff;
	v37 =	vadd.f32 v41, v37  }
0x125: {  	v56 =	vadd.s32 $0x578, v28;
	v47 =	vld.idx.msk [tilespmem:v59+s3+$0x0], $0xffff;
	v38 =	vadd.f32 v58, v38  }
0x126: {  	v41 =	vld.idx.msk [tilespmem:v57+s3+$0x0], $0xffff;
	v57 =	vadd.s32 $0x5B0, v24;
	v58 =	vor.u32 $0x2, v34;
	v37 =	vadd.f32 v43, v37  }
0x127: {  	v59 =	vadd.s32 $0x540, v33;
	v51 =	vld.idx.msk [tilespmem:v62+s3+$0x0], $0xffff;
	v38 =	vadd.f32 v61, v38  }
0x128: {  	v44 =	vld.idx.msk [tilespmem:v60+s3+$0x0], $0xffff;
	v60 =	vadd.s32 $0x578, v32;
	[tilespmem:v63+s13+$0x0] =	vst.idx.msk $0xffff, v37  }
0x129: {  	v61 =	vadd.s32 $0x5E8, v23;
	v39 =	vld.idx.msk [tilespmem:v55+s3+$0x0], $0xffff;
	v38 =	vadd.f32 v40, v38  }
0x12a: {  	v63 =	vadd.s32 $0x5B0, v31;
	v62 =	vld.idx.msk [tilespmem:v56+s3+$0x0], $0xffff  }
0x12b: {  	v43 =	vld.idx.msk [tilespmem:v57+s3+$0x0], $0xffff;
	v56 =	vadd.s32 $0x620, v22;
	[tilespmem:v58+s13+$0x0] =	vst.idx.msk $0xffff, v38  }
0x12c: {  	v48 =	vadd.s32 $0x5E8, v29;
	v38 =	vld.idx.msk [tilespmem:v59+s3+$0x0], $0xffff  }
0x12d: {  	v45 =	vadd.f32 v46, v45;
	v57 =	vadd.s32 $0x658, v21;
	v37 =	vld.idx.msk [tilespmem:v60+s3+$0x0], $0xffff  }
0x12e: {  	v58 =	vld.idx.msk [tilespmem:v61+s3+$0x0], $0xffff;
	v59 =	vadd.s32 $0x620, v30  }
0x12f: {  	v45 =	vadd.f32 v50, v45;
	v60 =	vadd.s32 $0x690, v20;
	v42 =	vld.idx.msk [tilespmem:v63+s3+$0x0], $0xffff;
	v39 =	vadd.f32 v62, v39  }
0x130: {  	v61 =	vld.idx.msk [tilespmem:v56+s3+$0x0], $0xffff;
	v62 =	vadd.s32 $0x658, v27  }
0x131: {  	v41 =	vadd.f32 v41, v45;
	v63 =	vadd.s32 $0x11B8, v15;
	v39 =	vadd.f32 v43, v39;
	v43 =	vld.idx.msk [tilespmem:v48+s3+$0x0], $0xffff  }
0x132: {  	v46 =	vadd.s32 $0x690, v25;
	v56 =	vld.idx.msk [tilespmem:v57+s3+$0x0], $0xffff;
	v37 =	vadd.f32 v37, v38  }
0x133: {  	v57 =	vadd.f32 v47, v41;
	v48 =	vadd.s32 $0x11F0, v14;
	v41 =	vld.idx.msk [tilespmem:v59+s3+$0x0], $0xffff;
	v39 =	vadd.f32 v58, v39  }
0x134: {  	v47 =	vadd.s32 $0x1228, v6;
	v40 =	vld.idx.msk [tilespmem:v60+s3+$0x0], $0xffff;
	v58 =	vor.u32 $0x7, v19;
	v37 =	vadd.f32 v42, v37  }
0x135: {  	v59 =	vadd.f32 v44, v57;
	v60 =	vadd.s32 $0xE00, v13;
	v39 =	vadd.f32 v61, v39;
	v61 =	vld.idx.msk [tilespmem:v62+s3+$0x0], $0xffff  }
0x136: {  	v38 =	vld.idx.msk [tilespmem:v63+s3+$0x0], $0xffff;
	v63 =	vor.u32 $0x3, v35;
	v62 =	vadd.s32 $0xE38, v12;
	v37 =	vadd.f32 v43, v37  }
0x137: {  	v46 =	vld.idx.msk [tilespmem:v46+s3+$0x0], $0xffff;
	v42 =	vadd.f32 v51, v59;
	v55 =	vadd.f32 v56, v39;
	v56 =	vadd.s32 $0x700, v26  }
0x138: {  	v57 =	vadd.s32 $0x738, v28;
	v39 =	vld.idx.msk [tilespmem:v48+s3+$0x0], $0xffff;
	v41 =	vadd.f32 v41, v37  }
0x139: {  	v59 =	vor.u32 $0x3, v34;
	v37 =	vld.idx.msk [tilespmem:v47+s3+$0x0], $0xffff;
	[tilespmem:v58+s13+$0x0] =	vst.idx.msk $0xffff, v42;
	v58 =	vadd.s32 $0x770, v24;
	v40 =	vadd.f32 v40, v55  }
0x13a: {  	v44 =	vld.idx.msk [tilespmem:v60+s3+$0x0], $0xffff;
	v60 =	vadd.s32 $0x700, v33;
	v41 =	vadd.f32 v61, v41  }
0x13b: {  	v49 =	vld.idx.msk [tilespmem:v62+s3+$0x0], $0xffff;
	v61 =	vadd.s32 $0x738, v32;
	[tilespmem:v63+s13+$0x0] =	vst.idx.msk $0xffff, v40  }
0x13c: {  	v62 =	vadd.s32 $0x7A8, v23;
	v45 =	vld.idx.msk [tilespmem:v56+s3+$0x0], $0xffff;
	v41 =	vadd.f32 v46, v41  }
0x13d: {  	v63 =	vld.idx.msk [tilespmem:v57+s3+$0x0], $0xffff;
	v56 =	vadd.s32 $0x770, v31  }
0x13e: {  	v57 =	vadd.s32 $0x7E0, v22;
	v42 =	vld.idx.msk [tilespmem:v58+s3+$0x0], $0xffff;
	[tilespmem:v59+s13+$0x0] =	vst.idx.msk $0xffff, v41  }
0x13f: {  	v58 =	vadd.s32 $0x7A8, v29;
	v41 =	vld.idx.msk [tilespmem:v60+s3+$0x0], $0xffff  }
0x140: {  	v59 =	vadd.s32 $0x818, v21;
	v40 =	vld.idx.msk [tilespmem:v61+s3+$0x0], $0xffff  }
0x141: {  	v50 =	vld.idx.msk [tilespmem:v62+s3+$0x0], $0xffff;
	v60 =	vadd.s32 $0x7E0, v30  }
0x142: {  	v61 =	vadd.s32 $0x850, v20;
	v45 =	vadd.f32 v63, v45;
	v48 =	vld.idx.msk [tilespmem:v56+s3+$0x0], $0xffff  }
0x143: {  	v62 =	vadd.s32 $0x818, v27;
	v51 =	vld.idx.msk [tilespmem:v57+s3+$0x0], $0xffff  }
0x144: {  	v63 =	vadd.s32 $0xE70, v8;
	v43 =	vld.idx.msk [tilespmem:v58+s3+$0x0], $0xffff;
	v42 =	vadd.f32 v42, v45  }
0x145: {  	v57 =	vld.idx.msk [tilespmem:v59+s3+$0x0], $0xffff;
	v40 =	vadd.f32 v40, v41;
	v41 =	vadd.s32 $0x850, v25  }
0x146: {  	v58 =	vadd.s32 $0xEA8, v9;
	v42 =	vadd.f32 v50, v42;
	v50 =	vld.idx.msk [tilespmem:v60+s3+$0x0], $0xffff  }
0x147: {  	v59 =	vadd.s32 $0xEE0, v11;
	v46 =	vld.idx.msk [tilespmem:v61+s3+$0x0], $0xffff;
	v40 =	vadd.f32 v48, v40  }
0x148: {  	v61 =	vld.idx.msk [tilespmem:v62+s3+$0x0], $0xffff;
	v60 =	vadd.s32 $0xF18, v7;
	v42 =	vadd.f32 v51, v42  }
0x149: {  	v62 =	vadd.s32 $0xF50, v10;
	v53 =	vld.idx.msk [tilespmem:v63+s3+$0x0], $0xffff;
	v63 =	vor.u32 $0x4, v35;
	v40 =	vadd.f32 v43, v40  }
0x14a: {  	v42 =	vadd.f32 v57, v42;
	v57 =	vadd.s32 $0x8C0, v26;
	v41 =	vld.idx.msk [tilespmem:v41+s3+$0x0], $0xffff  }
0x14b: {  	v45 =	vld.idx.msk [tilespmem:v58+s3+$0x0], $0xffff;
	v58 =	vadd.s32 $0x8F8, v28;
	v40 =	vadd.f32 v50, v40  }
0x14c: {  	v52 =	vor.u32 $0x4, v34;
	v50 =	vld.idx.msk [tilespmem:v59+s3+$0x0], $0xffff;
	v59 =	vadd.s32 $0x930, v24;
	v42 =	vadd.f32 v46, v42  }
0x14d: {  	v48 =	vld.idx.msk [tilespmem:v60+s3+$0x0], $0xffff;
	v60 =	vadd.s32 $0x8C0, v33;
	v40 =	vadd.f32 v61, v40  }
0x14e: {  	v54 =	vld.idx.msk [tilespmem:v62+s3+$0x0], $0xffff;
	v61 =	vadd.s32 $0x8F8, v32;
	[tilespmem:v63+s13+$0x0] =	vst.idx.msk $0xffff, v42  }
0x14f: {  	v62 =	vadd.s32 $0x968, v23;
	v43 =	vld.idx.msk [tilespmem:v57+s3+$0x0], $0xffff;
	v40 =	vadd.f32 v41, v40  }
0x150: {  	v47 =	vadd.s32 $0x930, v31;
	v41 =	vld.idx.msk [tilespmem:v58+s3+$0x0], $0xffff  }
0x151: {  	v63 =	vadd.s32 $0x9A0, v22;
	v46 =	vld.idx.msk [tilespmem:v59+s3+$0x0], $0xffff;
	[tilespmem:v52+s13+$0x0] =	vst.idx.msk $0xffff, v40  }
0x152: {  	v51 =	vadd.s32 $0x968, v29;
	v40 =	vld.idx.msk [tilespmem:v60+s3+$0x0], $0xffff  }
0x153: {  	v44 =	vadd.f32 v49, v44;
	v60 =	vadd.s32 $0x9D8, v21;
	v42 =	vld.idx.msk [tilespmem:v61+s3+$0x0], $0xffff  }
0x154: {  	v61 =	vld.idx.msk [tilespmem:v62+s3+$0x0], $0xffff;
	v62 =	vadd.s32 $0x9A0, v30  }
0x155: {  	v44 =	vadd.f32 v53, v44;
	v47 =	vld.idx.msk [tilespmem:v47+s3+$0x0], $0xffff;
	v41 =	vadd.f32 v41, v43;
	v43 =	vadd.s32 $0xA10, v20  }
0x156: {  	v53 =	vld.idx.msk [tilespmem:v63+s3+$0x0], $0xffff;
	v63 =	vadd.s32 $0x9D8, v27  }
0x157: {  	v44 =	vadd.f32 v45, v44;
	v57 =	vadd.s32 $0x1260, v5;
	v45 =	vld.idx.msk [tilespmem:v51+s3+$0x0], $0xffff;
	v41 =	vadd.f32 v46, v41  }
0x158: {  	v46 =	vld.idx.msk [tilespmem:v60+s3+$0x0], $0xffff;
	v40 =	vadd.f32 v42, v40;
	v42 =	vadd.s32 $0xA10, v25  }
0x159: {  	v44 =	vadd.f32 v50, v44;
	v60 =	vadd.s32 $0x1298, v4;
	v50 =	vld.idx.msk [tilespmem:v62+s3+$0x0], $0xffff;
	v41 =	vadd.f32 v61, v41  }
0x15a: {  	v62 =	vor.u32 $0x8, v19;
	v61 =	vadd.s32 $0x12D0, v3;
	v43 =	vld.idx.msk [tilespmem:v43+s3+$0x0], $0xffff;
	v40 =	vadd.f32 v47, v40  }
0x15b: {  	v55 =	vadd.s32 $0xFF8, v12;
	v44 =	vadd.f32 v48, v44;
	v63 =	vld.idx.msk [tilespmem:v63+s3+$0x0], $0xffff;
	v41 =	vadd.f32 v53, v41  }
0x15c: {  	v56 =	vor.u32 $0x5, v35;
	v47 =	vadd.s32 $0xFC0, v13;
	v53 =	vld.idx.msk [tilespmem:v57+s3+$0x0], $0xffff;
	v40 =	vadd.f32 v45, v40  }
0x15d: {  	v59 =	vadd.s32 $0xA80, v26;
	v44 =	vadd.f32 v54, v44;
	v41 =	vadd.f32 v46, v41;
	v42 =	vld.idx.msk [tilespmem:v42+s3+$0x0], $0xffff  }
0x15e: {  	v46 =	vld.idx.msk [tilespmem:v60+s3+$0x0], $0xffff;
	v60 =	vadd.s32 $0xAB8, v28;
	v40 =	vadd.f32 v50, v40  }
0x15f: {  	[tilespmem:v62+s13+$0x0] =	vst.idx.msk $0xffff, v44;
	v62 =	vor.u32 $0x5, v34;
	v50 =	vld.idx.msk [tilespmem:v61+s3+$0x0], $0xffff;
	v61 =	vadd.s32 $0xAF0, v24;
	v41 =	vadd.f32 v43, v41  }
0x160: {  	v51 =	vld.idx.msk [tilespmem:v55+s3+$0x0], $0xffff;
	v40 =	vadd.f32 v63, v40;
	v63 =	vadd.s32 $0xA80, v33  }
0x161: {  	v57 =	vadd.s32 $0xAB8, v32;
	v47 =	vld.idx.msk [tilespmem:v47+s3+$0x0], $0xffff;
	[tilespmem:v56+s13+$0x0] =	vst.idx.msk $0xffff, v41  }
0x162: {  	v58 =	vadd.s32 $0xB28, v23;
	v45 =	vld.idx.msk [tilespmem:v59+s3+$0x0], $0xffff;
	v40 =	vadd.f32 v42, v40  }
0x163: {  	v59 =	vld.idx.msk [tilespmem:v60+s3+$0x0], $0xffff;
	v60 =	vadd.s32 $0xAF0, v31  }
0x164: {  	v43 =	vld.idx.msk [tilespmem:v61+s3+$0x0], $0xffff;
	v61 =	vadd.s32 $0xB60, v22;
	[tilespmem:v62+s13+$0x0] =	vst.idx.msk $0xffff, v40  }
0x165: {  	v62 =	vadd.s32 $0xB28, v29;
	v40 =	vld.idx.msk [tilespmem:v63+s3+$0x0], $0xffff  }
0x166: {  	v63 =	vadd.s32 $0xB98, v21;
	v41 =	vld.idx.msk [tilespmem:v57+s3+$0x0], $0xffff  }
0x167: {  	v55 =	vadd.s32 $0xB60, v30;
	v52 =	vld.idx.msk [tilespmem:v58+s3+$0x0], $0xffff  }
0x168: {  	v42 =	vadd.f32 v59, v45;
	v45 =	vadd.s32 $0xBD0, v20;
	v49 =	vld.idx.msk [tilespmem:v60+s3+$0x0], $0xffff  }
0x169: {  	v60 =	vadd.s32 $0xB98, v27;
	v54 =	vld.idx.msk [tilespmem:v61+s3+$0x0], $0xffff  }
0x16a: {  	v61 =	vadd.s32 $0x1030, v8;
	v42 =	vadd.f32 v43, v42;
	v43 =	vld.idx.msk [tilespmem:v62+s3+$0x0], $0xffff  }
0x16b: {  	v62 =	vld.idx.msk [tilespmem:v63+s3+$0x0], $0xffff;
	v40 =	vadd.f32 v41, v40;
	v41 =	vadd.s32 $0xBD0, v25  }
0x16c: {  	v63 =	vadd.s32 $0x1068, v9;
	v42 =	vadd.f32 v52, v42;
	v52 =	vld.idx.msk [tilespmem:v55+s3+$0x0], $0xffff  }
0x16d: {  	v57 =	vadd.s32 $0x1110, v10;
	v45 =	vld.idx.msk [tilespmem:v45+s3+$0x0], $0xffff;
	v40 =	vadd.f32 v49, v40  }
0x16e: {  	v55 =	vadd.s32 $0x10A0, v11;
	v60 =	vld.idx.msk [tilespmem:v60+s3+$0x0], $0xffff;
	v42 =	vadd.f32 v54, v42  }
0x16f: {  	v49 =	vadd.s32 $0x10D8, v7;
	v56 =	vld.idx.msk [tilespmem:v61+s3+$0x0], $0xffff;
	v61 =	vor.u32 $0x6, v35;
	v40 =	vadd.f32 v43, v40  }
0x170: {  	v42 =	vadd.f32 v62, v42;
	v62 =	vadd.s32 $0xC40, v26;
	v41 =	vld.idx.msk [tilespmem:v41+s3+$0x0], $0xffff  }
0x171: {  	v36 =	vadd.f32 v38, v36;
	v44 =	vld.idx.msk [tilespmem:v63+s3+$0x0], $0xffff;
	v63 =	vadd.s32 $0xC78, v28;
	v40 =	vadd.f32 v52, v40  }
0x172: {  	v59 =	vor.u32 $0x6, v34;
	v38 =	vld.idx.msk [tilespmem:v57+s3+$0x0], $0xffff;
	v42 =	vadd.f32 v45, v42;
	v45 =	vadd.s32 $0xCB0, v24  }
0x173: {  	v52 =	vld.idx.msk [tilespmem:v55+s3+$0x0], $0xffff;
	v40 =	vadd.f32 v60, v40;
	v60 =	vadd.s32 $0xC40, v33  }
0x174: {  	v49 =	vld.idx.msk [tilespmem:v49+s3+$0x0], $0xffff;
	[tilespmem:v61+s13+$0x0] =	vst.idx.msk $0xffff, v42;
	v42 =	vadd.s32 $0xC78, v32  }
0x175: {  	v61 =	vadd.s32 $0xCE8, v23;
	v43 =	vld.idx.msk [tilespmem:v62+s3+$0x0], $0xffff;
	v40 =	vadd.f32 v41, v40  }
0x176: {  	v36 =	vadd.f32 v39, v36;
	v62 =	vld.idx.msk [tilespmem:v63+s3+$0x0], $0xffff;
	v63 =	vadd.s32 $0xCB0, v31  }
0x177: {  	v57 =	vadd.s32 $0xD20, v22;
	[tilespmem:v59+s13+$0x0] =	vst.idx.msk $0xffff, v40;
	v40 =	vld.idx.msk [tilespmem:v45+s3+$0x0], $0xffff  }
0x178: {  	v36 =	vadd.f32 v37, v36;
	v59 =	vadd.s32 $0xCE8, v29;
	v58 =	vld.idx.msk [tilespmem:v60+s3+$0x0], $0xffff  }
0x179: {  	v47 =	vadd.f32 v51, v47;
	v60 =	vadd.s32 $0xD58, v21;
	v42 =	vld.idx.msk [tilespmem:v42+s3+$0x0], $0xffff  }
0x17a: {  	v36 =	vadd.f32 v53, v36;
	v41 =	vld.idx.msk [tilespmem:v61+s3+$0x0], $0xffff;
	v61 =	vadd.s32 $0xD20, v30  }
0x17b: {  	v47 =	vadd.f32 v56, v47;
	v39 =	vadd.f32 v62, v43;
	v62 =	vadd.s32 $0xD90, v20;
	v48 =	vld.idx.msk [tilespmem:v63+s3+$0x0], $0xffff  }
0x17c: {  	v36 =	vadd.f32 v46, v36;
	v45 =	vld.idx.msk [tilespmem:v57+s3+$0x0], $0xffff;
	v63 =	vadd.s32 $0xD58, v27  }
0x17d: {  	v16 =	vadd.s32 $0x1340, v16;
	v44 =	vadd.f32 v44, v47;
	v39 =	vadd.f32 v40, v39;
	v54 =	vld.idx.msk [tilespmem:v59+s3+$0x0], $0xffff  }
0x17e: {  	v36 =	vadd.f32 v50, v36;
	v56 =	vadd.s32 $0xD90, v25;
	v55 =	vld.idx.msk [tilespmem:v60+s3+$0x0], $0xffff;
	v37 =	vadd.f32 v42, v58  }
0x17f: {  	v15 =	vadd.s32 $0x1378, v15;
	v44 =	vadd.f32 v52, v44;
	v39 =	vadd.f32 v41, v39;
	v57 =	vld.idx.msk [tilespmem:v61+s3+$0x0], $0xffff  }
0x180: {  	v19 =	vor.u32 $0x9, v19;
	[tilespmem:v1+s14+$0x0] =	vst.idx.msk $0xffff, v36;
	v58 =	vadd.s32 $0x13B0, v14;
	v43 =	vld.idx.msk [tilespmem:v62+s3+$0x0], $0xffff;
	v37 =	vadd.f32 v48, v37  }
0x181: {  	v44 =	vadd.f32 v49, v44;
	v59 =	vadd.s32 $0x1180, v13;
	v60 =	vld.idx.msk [tilespmem:v63+s3+$0x0], $0xffff;
	v39 =	vadd.f32 v45, v39  }
0x182: {  	v14 =	vld.idx.msk [tilespmem:v16+s3+$0x0], $0xffff;
	v61 =	vadd.s32 $0x11B8, v12;
	v62 =	vor.u32 $0x7, v35;
	v37 =	vadd.f32 v54, v37  }
0x183: {  	v38 =	vadd.f32 v38, v44;
	v42 =	vld.idx.msk [tilespmem:v56+s3+$0x0], $0xffff;
	v63 =	vadd.s32 $0xE00, v26;
	v39 =	vadd.f32 v55, v39  }
0x184: {  	v50 =	vadd.s32 $0xE38, v28;
	v16 =	vld.idx.msk [tilespmem:v15+s3+$0x0], $0xffff;
	v37 =	vadd.f32 v57, v37  }
0x185: {  	v53 =	vor.u32 $0x7, v34;
	v52 =	vadd.s32 $0xE70, v24;
	[tilespmem:v19+s13+$0x0] =	vst.idx.msk $0xffff, v38;
	v15 =	vld.idx.msk [tilespmem:v58+s3+$0x0], $0xffff;
	v51 =	vadd.f32 v43, v39  }
0x186: {  	v54 =	vadd.s32 $0xE00, v33;
	v39 =	vld.idx.msk [tilespmem:v59+s3+$0x0], $0xffff;
	v37 =	vadd.f32 v60, v37  }
0x187: {  	v55 =	vadd.s32 $0xE38, v32;
	v43 =	vld.idx.msk [tilespmem:v61+s3+$0x0], $0xffff;
	[tilespmem:v62+s13+$0x0] =	vst.idx.msk $0xffff, v51  }
0x188: {  	v56 =	vadd.s32 $0xEA8, v23;
	v40 =	vld.idx.msk [tilespmem:v63+s3+$0x0], $0xffff;
	v37 =	vadd.f32 v42, v37  }
0x189: {  	v58 =	vadd.s32 $0xE70, v31;
	v57 =	vld.idx.msk [tilespmem:v50+s3+$0x0], $0xffff  }
0x18a: {  	v59 =	vadd.s32 $0xEE0, v22;
	v36 =	vld.idx.msk [tilespmem:v52+s3+$0x0], $0xffff;
	[tilespmem:v53+s13+$0x0] =	vst.idx.msk $0xffff, v37  }
0x18b: {  	v60 =	vadd.s32 $0xEA8, v29;
	v37 =	vld.idx.msk [tilespmem:v54+s3+$0x0], $0xffff  }
0x18c: {  	v61 =	vadd.s32 $0xF18, v21;
	v19 =	vld.idx.msk [tilespmem:v55+s3+$0x0], $0xffff  }
0x18d: {  	v62 =	vadd.s32 $0xEE0, v30;
	v45 =	vld.idx.msk [tilespmem:v56+s3+$0x0], $0xffff  }
0x18e: {  	v63 =	vadd.s32 $0xF50, v20;
	v44 =	vld.idx.msk [tilespmem:v58+s3+$0x0], $0xffff;
	v40 =	vadd.f32 v57, v40  }
0x18f: {  	v52 =	vadd.s32 $0xF18, v27;
	v46 =	vld.idx.msk [tilespmem:v59+s3+$0x0], $0xffff  }
0x190: {  	v56 =	vadd.s32 $0x1228, v9;
	v38 =	vld.idx.msk [tilespmem:v60+s3+$0x0], $0xffff;
	v36 =	vadd.f32 v36, v40  }
0x191: {  	v54 =	vld.idx.msk [tilespmem:v61+s3+$0x0], $0xffff;
	v55 =	vadd.s32 $0xF50, v25;
	v19 =	vadd.f32 v19, v37  }
0x192: {  	v53 =	vadd.s32 $0x11F0, v8;
	v57 =	vld.idx.msk [tilespmem:v62+s3+$0x0], $0xffff;
	v36 =	vadd.f32 v45, v36  }
0x193: {  	v58 =	vadd.s32 $0x1260, v11;
	v42 =	vld.idx.msk [tilespmem:v63+s3+$0x0], $0xffff;
	v19 =	vadd.f32 v44, v19  }
0x194: {  	v61 =	vadd.s32 $0x12D0, v10;
	v60 =	vld.idx.msk [tilespmem:v52+s3+$0x0], $0xffff;
	v36 =	vadd.f32 v46, v36  }
0x195: {  	v59 =	vadd.s32 $0x1298, v7;
	v62 =	vor.u32 $0x8, v35;
	v40 =	vld.idx.msk [tilespmem:v56+s3+$0x0], $0xffff;
	v19 =	vadd.f32 v38, v19  }
0x196: {  	v63 =	vadd.s32 $0xFC0, v26;
	v37 =	vld.idx.msk [tilespmem:v55+s3+$0x0], $0xffff;
	v36 =	vadd.f32 v54, v36  }
0x197: {  	v52 =	vadd.s32 $0xFF8, v28;
	v48 =	vld.idx.msk [tilespmem:v53+s3+$0x0], $0xffff;
	v19 =	vadd.f32 v57, v19  }
0x198: {  	v53 =	vadd.s32 $0x1030, v24;
	v45 =	vld.idx.msk [tilespmem:v58+s3+$0x0], $0xffff;
	v54 =	vor.u32 $0x8, v34;
	v36 =	vadd.f32 v42, v36  }
0x199: {  	v55 =	vadd.s32 $0xFC0, v33;
	v49 =	vld.idx.msk [tilespmem:v61+s3+$0x0], $0xffff;
	v19 =	vadd.f32 v60, v19  }
0x19a: {  	v56 =	vadd.s32 $0xFF8, v32;
	v44 =	vld.idx.msk [tilespmem:v59+s3+$0x0], $0xffff;
	[tilespmem:v62+s13+$0x0] =	vst.idx.msk $0xffff, v36  }
0x19b: {  	v57 =	vadd.s32 $0x1068, v23;
	v38 =	vld.idx.msk [tilespmem:v63+s3+$0x0], $0xffff;
	v19 =	vadd.f32 v37, v19  }
0x19c: {  	v59 =	vadd.s32 $0x1030, v31;
	v58 =	vld.idx.msk [tilespmem:v52+s3+$0x0], $0xffff  }
0x19d: {  	v60 =	vadd.s32 $0x10A0, v22;
	v42 =	vld.idx.msk [tilespmem:v53+s3+$0x0], $0xffff;
	[tilespmem:v54+s13+$0x0] =	vst.idx.msk $0xffff, v19  }
0x19e: {  	v61 =	vadd.s32 $0x1068, v29;
	v19 =	vld.idx.msk [tilespmem:v55+s3+$0x0], $0xffff  }
0x19f: {  	v62 =	vadd.s32 $0x10D8, v21;
	v36 =	vld.idx.msk [tilespmem:v56+s3+$0x0], $0xffff  }
0x1a0: {  	v39 =	vadd.f32 v43, v39;
	v63 =	vld.idx.msk [tilespmem:v57+s3+$0x0], $0xffff;
	v54 =	vadd.s32 $0x10A0, v30  }
0x1a1: {  	v55 =	vadd.s32 $0x1110, v20;
	v41 =	vld.idx.msk [tilespmem:v59+s3+$0x0], $0xffff;
	v37 =	vadd.f32 v58, v38  }
0x1a2: {  	v39 =	vadd.f32 v48, v39;
	v57 =	vadd.s32 $0x10D8, v27;
	v56 =	vld.idx.msk [tilespmem:v60+s3+$0x0], $0xffff  }
0x1a3: {  	v6 =	vadd.s32 $0x13E8, v6;
	v58 =	vld.idx.msk [tilespmem:v61+s3+$0x0], $0xffff;
	v37 =	vadd.f32 v42, v37  }
0x1a4: {  	v39 =	vadd.f32 v40, v39;
	v59 =	vld.idx.msk [tilespmem:v62+s3+$0x0], $0xffff;
	v60 =	vadd.s32 $0x1110, v25;
	v19 =	vadd.f32 v36, v19  }
0x1a5: {  	v5 =	vadd.s32 $0x1420, v5;
	v61 =	vld.idx.msk [tilespmem:v54+s3+$0x0], $0xffff;
	v37 =	vadd.f32 v63, v37  }
0x1a6: {  	v4 =	vadd.s32 $0x1458, v4;
	v39 =	vadd.f32 v45, v39;
	v38 =	vld.idx.msk [tilespmem:v55+s3+$0x0], $0xffff;
	v19 =	vadd.f32 v41, v19  }
0x1a7: {  	v3 =	vadd.s32 $0x1490, v3;
	v13 =	vadd.s32 $0x1340, v13;
	v62 =	vld.idx.msk [tilespmem:v57+s3+$0x0], $0xffff;
	v37 =	vadd.f32 v56, v37  }
0x1a8: {  	v6 =	vld.idx.msk [tilespmem:v6+s3+$0x0], $0xffff;
	v35 =	vor.u32 $0x9, v35;
	v39 =	vadd.f32 v44, v39;
	v19 =	vadd.f32 v58, v19  }
0x1a9: {  	v63 =	vadd.s32 $0x1180, v26;
	v36 =	vld.idx.msk [tilespmem:v60+s3+$0x0], $0xffff;
	v37 =	vadd.f32 v59, v37  }
0x1aa: {  	v5 =	vld.idx.msk [tilespmem:v5+s3+$0x0], $0xffff;
	v45 =	vadd.s32 $0x11B8, v28;
	v39 =	vadd.f32 v49, v39;
	v19 =	vadd.f32 v61, v19  }
0x1ab: {  	v4 =	vld.idx.msk [tilespmem:v4+s3+$0x0], $0xffff;
	v46 =	vadd.s32 $0x11F0, v24;
	v34 =	vor.u32 $0x9, v34;
	v37 =	vadd.f32 v38, v37  }
0x1ac: {  	v3 =	vld.idx.msk [tilespmem:v3+s3+$0x0], $0xffff;
	v47 =	vadd.s32 $0x1180, v33;
	[tilespmem:v2+s14+$0x0] =	vst.idx.msk $0xffff, v39;
	v19 =	vadd.f32 v62, v19  }
0x1ad: {  	v48 =	vadd.s32 $0x11B8, v32;
	v13 =	vld.idx.msk [tilespmem:v13+s3+$0x0], $0xffff;
	[tilespmem:v35+s13+$0x0] =	vst.idx.msk $0xffff, v37  }
0x1ae: {  	v49 =	vadd.s32 $0x1228, v23;
	v37 =	vld.idx.msk [tilespmem:v63+s3+$0x0], $0xffff;
	v19 =	vadd.f32 v36, v19  }
0x1af: {  	v51 =	vadd.s32 $0x11F0, v31;
	v50 =	vld.idx.msk [tilespmem:v45+s3+$0x0], $0xffff  }
0x1b0: {  	v52 =	vadd.s32 $0x1260, v22;
	v38 =	vld.idx.msk [tilespmem:v46+s3+$0x0], $0xffff;
	[tilespmem:v34+s13+$0x0] =	vst.idx.msk $0xffff, v19  }
0x1b1: {  	v53 =	vadd.s32 $0x1228, v29;
	v19 =	vld.idx.msk [tilespmem:v47+s3+$0x0], $0xffff  }
0x1b2: {  	v54 =	vadd.s32 $0x1298, v21;
	v35 =	vld.idx.msk [tilespmem:v48+s3+$0x0], $0xffff  }
0x1b3: {  	v55 =	vadd.s32 $0x1260, v30;
	v40 =	vld.idx.msk [tilespmem:v49+s3+$0x0], $0xffff  }
0x1b4: {  	v56 =	vadd.s32 $0x12D0, v20;
	v41 =	vld.idx.msk [tilespmem:v51+s3+$0x0], $0xffff  }
0x1b5: {  	v58 =	vadd.s32 $0x1298, v27;
	v57 =	vld.idx.msk [tilespmem:v52+s3+$0x0], $0xffff;
	v36 =	vadd.f32 v50, v37  }
0x1b6: {  	v12 =	vadd.s32 $0x1378, v12;
	v34 =	vld.idx.msk [tilespmem:v53+s3+$0x0], $0xffff  }
0x1b7: {  	v60 =	vadd.s32 $0x12D0, v25;
	v59 =	vld.idx.msk [tilespmem:v54+s3+$0x0], $0xffff;
	v36 =	vadd.f32 v38, v36;
	v19 =	vadd.f32 v35, v19  }
0x1b8: {  	v8 =	vadd.s32 $0x13B0, v8;
	v61 =	vld.idx.msk [tilespmem:v55+s3+$0x0], $0xffff  }
0x1b9: {  	v9 =	vadd.s32 $0x13E8, v9;
	v62 =	vld.idx.msk [tilespmem:v56+s3+$0x0], $0xffff;
	v36 =	vadd.f32 v40, v36;
	v19 =	vadd.f32 v41, v19  }
0x1ba: {  	v11 =	vadd.s32 $0x1420, v11;
	v63 =	vld.idx.msk [tilespmem:v58+s3+$0x0], $0xffff  }
0x1bb: {  	v7 =	vadd.s32 $0x1458, v7;
	v12 =	vld.idx.msk [tilespmem:v12+s3+$0x0], $0xffff;
	v36 =	vadd.f32 v57, v36;
	v19 =	vadd.f32 v34, v19  }
0x1bc: {  	v10 =	vadd.s32 $0x1490, v10;
	v37 =	vld.idx.msk [tilespmem:v60+s3+$0x0], $0xffff  }
0x1bd: {  	v8 =	vld.idx.msk [tilespmem:v8+s3+$0x0], $0xffff;
	v26 =	vadd.s32 $0x1340, v26;
	v38 =	vadd.f32 v59, v36;
	v19 =	vadd.f32 v61, v19  }
0x1be: {  	v28 =	vadd.s32 $0x1378, v28;
	v9 =	vld.idx.msk [tilespmem:v9+s3+$0x0], $0xffff  }
0x1bf: {  	v33 =	vadd.s32 $0x1340, v33;
	v11 =	vld.idx.msk [tilespmem:v11+s3+$0x0], $0xffff;
	v35 =	vadd.f32 v62, v38;
	v19 =	vadd.f32 v63, v19  }
0x1c0: {  	v32 =	vadd.s32 $0x1378, v32;
	v7 =	vld.idx.msk [tilespmem:v7+s3+$0x0], $0xffff  }
0x1c1: {  	v24 =	vadd.s32 $0x13B0, v24;
	v10 =	vld.idx.msk [tilespmem:v10+s3+$0x0], $0xffff;
	[tilespmem:v17+s14+$0x0] =	vst.idx.msk $0xffff, v35;
	v19 =	vadd.f32 v37, v19  }
0x1c2: {  	v31 =	vadd.s32 $0x13B0, v31;
	v26 =	vld.idx.msk [tilespmem:v26+s3+$0x0], $0xffff  }
0x1c3: {  	v23 =	vadd.s32 $0x13E8, v23;
	v41 =	vld.idx.msk [tilespmem:v28+s3+$0x0], $0xffff;
	[tilespmem:v18+s14+$0x0] =	vst.idx.msk $0xffff, v19  }
0x1c4: {  	v29 =	vadd.s32 $0x13E8, v29;
	v42 =	vld.idx.msk [tilespmem:v33+s3+$0x0], $0xffff  }
0x1c5: {  	v22 =	vadd.s32 $0x1420, v22;
	v32 =	vld.idx.msk [tilespmem:v32+s3+$0x0], $0xffff  }
0x1c6: {  	v30 =	vadd.s32 $0x1420, v30;
	v24 =	vld.idx.msk [tilespmem:v24+s3+$0x0], $0xffff  }
0x1c7: {  	v14 =	vadd.f32 v16, v14;
	v43 =	vadd.s32 $0x1458, v21;
	v44 =	vld.idx.msk [tilespmem:v31+s3+$0x0], $0xffff  }
0x1c8: {  	v12 =	vadd.f32 v12, v13;
	v46 =	vadd.s32 $0x1458, v27;
	v45 =	vld.idx.msk [tilespmem:v23+s3+$0x0], $0xffff  }
0x1c9: {  	v14 =	vadd.f32 v15, v14;
	v48 =	vadd.s32 $0x1490, v20;
	v49 =	vld.idx.msk [tilespmem:v29+s3+$0x0], $0xffff;
	v47 =	vadd.f32 v41, v26  }
0x1ca: {  	v25 =	vadd.s32 $0x1490, v25;
	v8 =	vadd.f32 v8, v12;
	v22 =	vld.idx.msk [tilespmem:v22+s3+$0x0], $0xffff;
	v50 =	vadd.f32 v32, v42  }
0x1cb: {  	v6 =	vadd.f32 v6, v14;
	v52 =	vld.idx.msk [tilespmem:v30+s3+$0x0], $0xffff;
	v51 =	vadd.f32 v24, v47  }
0x1cc: {  	v8 =	vadd.f32 v9, v8;
	v54 =	vld.idx.msk [tilespmem:v43+s3+$0x0], $0xffff;
	v53 =	vadd.f32 v44, v50  }
0x1cd: {  	v5 =	vadd.f32 v5, v6;
	v56 =	vld.idx.msk [tilespmem:v46+s3+$0x0], $0xffff;
	v55 =	vadd.f32 v45, v51  }
0x1ce: {  	v8 =	vadd.f32 v11, v8;
	v57 =	vld.idx.msk [tilespmem:v48+s3+$0x0], $0xffff;
	v9 =	vadd.f32 v49, v53  }
0x1cf: {  	v4 =	vadd.f32 v4, v5;
	v59 =	vld.idx.msk [tilespmem:v25+s3+$0x0], $0xffff;
	v58 =	vadd.f32 v22, v55  }
0x1d0: {  	s17 =	sadd.s32 $0x4, s17;
	v7 =	vadd.f32 v7, v8;
	v60 =	vadd.f32 v52, v9  }
0x1d1: {  	p0 =	slt.u32 s17, $0x1C;
	v3 =	vadd.f32 v3, v4;
	v61 =	vadd.f32 v54, v58  }
.Ltmp0:
0x1d2: {  	v62 =	vadd.f32 v10, v7;
	v63 =	vadd.f32 v56, v60;
	(pc) =	sbr.rel @p0 .LBB2_2-.Ltmp0, $4  }
0x1d3: {  	[tilespmem:v1+s15+$0x0] =	vst.idx.msk $0xffff, v3;
	v1 =	vadd.f32 v57, v61  }
0x1d4: {  	[tilespmem:v2+s15+$0x0] =	vst.idx.msk $0xffff, v62;
	v2 =	vadd.f32 v59, v63  }
0x1d5: {  	[tilespmem:v17+s15+$0x0] =	vst.idx.msk $0xffff, v1  }
0x1d6: {  	s18 =	sadd.s32 $0x40, s18;
	[tilespmem:v18+s15+$0x0] =	vst.idx.msk $0xffff, v2  }
0x1d7: {  	[hbm4b:s6+s3] =	stream.linear.scatter [tilespmem:s13], [sflag:$0x1], $0x2000, $0x38;
	[tilespmem:$0x7500] =	vst v63  }
0x1d8: {  	_ = 	snop  }
0x1d9: {  	[hbm4b:s7+s3] =	stream.linear.scatter [tilespmem:s14], [sflag:$0x1], $0x1000, $0x38;
	[tilespmem:$0x7500] =	vst v63  }
0x1da: {  	_ = 	snop  }
0x1db: {  	[hbm4b:s8+s3] =	stream.linear.scatter [tilespmem:s15], [sflag:$0x1], $0x1000, $0x38;
	[tilespmem:$0x7500] =	vst v63  }
0x1dc: {  	_ =	swait.ge [sflag:s12], $0x2000  }
0x1dd: {  	[sflag:s12] =	ssyncset.done $0x0  }
0x1de: {  	s16 =	sadd.s32 $0x1, s16;
	[sflag:s12] =	ssyncadd.s32 $0xFFFFE000  }
0x1df: {  	p0 =	sne.s32 s16, s9;
	_ =	swait.ge [sflag:s12], $0x1000  }
.Ltmp1:
0x1e0: {  	[sflag:s12] =	ssyncset.done $0x0;
	(pc) =	sbr.rel @p0 .LBB2_1-.Ltmp1, $4  }
0x1e1: {  	[sflag:s12] =	ssyncadd.s32 $0xFFFFF000  }
0x1e2: {  	_ =	swait.ge [sflag:s12], $0x1000  }
0x1e3: {  	[sflag:s12] =	ssyncset.done $0x0  }
0x1e4: {  	[sflag:s12] =	ssyncadd.s32 $0xFFFFF000  }
0x1e5: {  	_ =	sfence.sel $0x180000  }
0x1e6: {  	[bflag:$0x0] =	sbarrier.arrive $0xFFFF  }
0x1e7: {  	p0 =	sne.s32 s2, $0x0;
	_ =	strace $0x90000047  }
0x1e8: {  	s0 =	sadd.s32 @!p0 $0x100000, s0;
	[bflag:$0x2] =	sbarrier.arrive $0xFFFF  }
0x1e9: {  	[sflag:s0] =	ssyncadd.tile.s32 @!p0 $0x1;
	_ =	shalt  }
.Lfunc_end2:
_tile_overlayer_lowered:
.L_overlay_start_2:
0x1ea: {  	(tag) =	ssettag $0x2  }
0x1eb: {  	s0 =	rddreg [dreg:$0x0];
	s2 =	stileid.u32  }
0x1ec: {  	s1 =	rddreg [dreg:$0x1];
	p0 =	sne.s32 s2, $0x0  }
0x1ed: {  	s3 =	rddreg [dreg:$0x2];
	[bflag:$0x3] =	sbarrier.arrive $0xFFFF;
	s2 =	simm.s32 @!p0 $0x1C02  }
0x1ee: {  	[timem:s3], [sflag:s2] =	dma.local @!p0 [hbm:s0], s1  }
0x1ef: {  	s0 =	simm.s32 @!p0 $0x2  }
0x1f0: {  	_ =	swait.ge @!p0 [sflag:s0], s1  }
0x1f1: {  	s1 =	ssub.s32 @!p0 $0x0, s1;
	[sflag:s0] =	ssyncset.done @!p0 $0x0  }
0x1f2: {  	[sflag:s0] =	ssyncadd.s32 @!p0 s1  }
0x1f3: {  	[bflag:$0x3] =	sbarrier.arrive $0xFFFF  }
0x1f4: {  	_ =	shalt  }

</sc_bundles>
